<compile_context>
chip_gen: v7x
topology: tpu7x:2x2x1
jax: 0.10.2.dev20260603
libtpu: 0.0.44.dev20260713+nightly
codegen_flags: <defaults>
</compile_context>

<pallas_src>
import functools

import jax
import jax.numpy as jnp
from jax import lax
from jax.experimental import pallas as pl
from jax.experimental.pallas import tpu as pltpu
from jax.experimental.pallas import tpu_sc as plsc

N_NODES = 10000
N_EDGES = 320000
D = 128

NC = 2
NS = 16
CHUNK = 128
N_CHUNKS = 80
E_PER_TILE = N_CHUNKS * CHUNK
E_PAD = NC * NS * E_PER_TILE
N_PAD = 10240
ROWS_PER_TILE = N_PAD // NS
BLK = 40
N_BLKS = N_CHUNKS // BLK
DEG_K = 8


@functools.partial(
    pl.kernel,
    mesh=plsc.VectorSubcoreMesh(core_axis_name="c", subcore_axis_name="s"),
    out_type=(
        jax.ShapeDtypeStruct((NC, N_PAD, D), jnp.float32),
        jax.ShapeDtypeStruct((NC, N_PAD, D), jnp.float32),
    ),
    scratch_types=[
        pltpu.VMEM_SHARED((N_PAD, D), jnp.float32),
        pltpu.VMEM((BLK, CHUNK), jnp.int32),
        pltpu.VMEM((BLK, CHUNK), jnp.int32),
        pltpu.VMEM((CHUNK, D), jnp.float32),
        pltpu.VMEM((CHUNK, D), jnp.float32),
        pltpu.SemaphoreType.DMA,
        pltpu.SemaphoreType.DMA,
    ],
)
def _sc_edge_agg(x_hbm, src_hbm, dst_hbm, zrows_hbm, ones_hbm,
                 agg_out, deg_out,
                 acc_sh, src_a, dst_a, rows0, rows1, sem0, sem1):
    c = lax.axis_index("c")
    s = lax.axis_index("s")

    row0 = s * ROWS_PER_TILE
    pltpu.sync_copy(zrows_hbm, acc_sh.at[pl.ds(row0, ROWS_PER_TILE)])
    plsc.subcore_barrier()

    def fire(j, rows, sem):
        pltpu.async_copy(x_hbm.at[src_a.at[j]], rows, sem)

    def wait(rows, sem):
        pltpu.make_async_copy(x_hbm.at[src_a.at[0]], rows, sem).wait()

    def scat(j, rows):
        pltpu.sync_copy(rows, acc_sh.at[dst_a.at[j]], add=True)

    def agg_blk(blk, carry):
        c0 = blk * BLK
        pltpu.sync_copy(src_hbm.at[c, s, pl.ds(c0, BLK)], src_a)
        pltpu.sync_copy(dst_hbm.at[c, s, pl.ds(c0, BLK)], dst_a)
        fire(0, rows0, sem0)

        def pair(p, carry2):
            j = 2 * p
            fire(j + 1, rows1, sem1)
            wait(rows0, sem0)
            scat(j, rows0)
            fire(j + 2, rows0, sem0)
            wait(rows1, sem1)
            scat(j + 1, rows1)
            return carry2

        lax.fori_loop(0, BLK // 2 - 1, pair, 0)
        fire(BLK - 1, rows1, sem1)
        wait(rows0, sem0)
        scat(BLK - 2, rows0)
        wait(rows1, sem1)
        scat(BLK - 1, rows1)
        return carry

    lax.fori_loop(0, N_BLKS, agg_blk, 0)
    plsc.subcore_barrier()

    pltpu.sync_copy(acc_sh.at[pl.ds(row0, ROWS_PER_TILE)],
                    agg_out.at[c, pl.ds(row0, ROWS_PER_TILE)])
    pltpu.sync_copy(zrows_hbm, acc_sh.at[pl.ds(row0, ROWS_PER_TILE)])
    plsc.subcore_barrier()

    pltpu.sync_copy(ones_hbm, rows0)

    def deg_blk(blk, carry):
        c0 = blk * BLK
        pltpu.sync_copy(dst_hbm.at[c, s, pl.ds(c0, BLK)], dst_a)

        def group(gi, carry2):
            j0 = gi * DEG_K
            for k in range(DEG_K):
                pltpu.async_copy(rows0, acc_sh.at[dst_a.at[j0 + k]],
                                 sem0, add=True)
            for k in range(DEG_K):
                pltpu.make_async_copy(rows0, acc_sh.at[dst_a.at[0]],
                                      sem0).wait()
            return carry2

        lax.fori_loop(0, BLK // DEG_K, group, 0)
        return carry

    lax.fori_loop(0, N_BLKS, deg_blk, 0)
    plsc.subcore_barrier()

    pltpu.sync_copy(acc_sh.at[pl.ds(row0, ROWS_PER_TILE)],
                    deg_out.at[c, pl.ds(row0, ROWS_PER_TILE)])


ROW_BLK = 1000


def _tc_pre_body(x_ref, W_ref, Wg_ref, b_ref, bg_ref, ph_ref, pg_ref):
    x = x_ref[...]
    ph_ref[...] = (
        jnp.dot(x, W_ref[...][:D], preferred_element_type=jnp.float32)
        + b_ref[...])
    pg_ref[...] = (
        jnp.dot(x, Wg_ref[...][:D], preferred_element_type=jnp.float32)
        + bg_ref[...])


_tc_pre = pl.pallas_call(
    _tc_pre_body,
    grid=(N_NODES // ROW_BLK,),
    in_specs=[
        pl.BlockSpec((ROW_BLK, D), lambda i: (i, 0)),
        pl.BlockSpec((2 * D, D), lambda i: (0, 0)),
        pl.BlockSpec((2 * D, D), lambda i: (0, 0)),
        pl.BlockSpec((1, D), lambda i: (0, 0)),
        pl.BlockSpec((1, D), lambda i: (0, 0)),
    ],
    out_specs=[
        pl.BlockSpec((ROW_BLK, D), lambda i: (i, 0)),
        pl.BlockSpec((ROW_BLK, D), lambda i: (i, 0)),
    ],
    out_shape=[
        jax.ShapeDtypeStruct((N_NODES, D), jnp.float32),
        jax.ShapeDtypeStruct((N_NODES, D), jnp.float32),
    ],
)


def _tc_finish_body(x_ref, agg_ref, deg_ref, W_ref, Wg_ref, ph_ref, pg_ref,
                    out_ref):
    x = x_ref[...]
    deg = deg_ref[0] + deg_ref[1]
    agg = (agg_ref[0] + agg_ref[1]) / jnp.clip(deg, 1.0, None)
    W = W_ref[...]
    Wg = Wg_ref[...]
    h = jnp.tanh(
        ph_ref[...]
        + jnp.dot(agg, W[D:], preferred_element_type=jnp.float32))
    g = jax.nn.sigmoid(
        pg_ref[...]
        + jnp.dot(agg, Wg[D:], preferred_element_type=jnp.float32))
    row = lax.broadcasted_iota(jnp.int32, (D, D), 0)
    col = lax.broadcasted_iota(jnp.int32, (D, D), 1)
    T = jnp.where(row <= col, 1.0, 0.0) / (col.astype(jnp.float32) + 1.0)
    gate = jnp.dot(g, T, preferred_element_type=jnp.float32)
    out_ref[...] = gate * x + (1.0 - gate) * h


_tc_finish = pl.pallas_call(
    _tc_finish_body,
    grid=(N_NODES // ROW_BLK,),
    in_specs=[
        pl.BlockSpec((ROW_BLK, D), lambda i: (i, 0)),
        pl.BlockSpec((NC, ROW_BLK, D), lambda i: (0, i, 0)),
        pl.BlockSpec((NC, ROW_BLK, 1), lambda i: (0, i, 0)),
        pl.BlockSpec((2 * D, D), lambda i: (0, 0)),
        pl.BlockSpec((2 * D, D), lambda i: (0, 0)),
        pl.BlockSpec((ROW_BLK, D), lambda i: (i, 0)),
        pl.BlockSpec((ROW_BLK, D), lambda i: (i, 0)),
    ],
    out_specs=pl.BlockSpec((ROW_BLK, D), lambda i: (i, 0)),
    out_shape=jax.ShapeDtypeStruct((N_NODES, D), jnp.float32),
)


def kernel(x, edge_index, W, b, Wg, bg):
    ei = edge_index.astype(jnp.int32)
    nt = NC * NS
    pad_per_tile = E_PER_TILE - N_EDGES // nt
    src_pad = jnp.broadcast_to(
        jnp.arange(pad_per_tile, dtype=jnp.int32) * 41 % N_NODES,
        (nt, pad_per_tile))
    dst_pad = jnp.broadcast_to(
        N_NODES + jnp.arange(pad_per_tile, dtype=jnp.int32),
        (nt, pad_per_tile))
    src = jnp.concatenate([ei[0].reshape(nt, -1), src_pad], axis=1).reshape(
        NC, NS, N_CHUNKS, CHUNK)
    dst = jnp.concatenate([ei[1].reshape(nt, -1), dst_pad], axis=1).reshape(
        NC, NS, N_CHUNKS, CHUNK)
    zrows = jnp.zeros((ROWS_PER_TILE, D), jnp.float32)
    ones_rows = jnp.ones((CHUNK, D), jnp.float32)
    pre_h, pre_g = _tc_pre(x, W, Wg, b.reshape(1, D), bg.reshape(1, D))
    agg_part, deg_part = _sc_edge_agg(x, src, dst, zrows, ones_rows)
    return _tc_finish(x, agg_part, deg_part[:, :, :1], W, Wg, pre_h, pre_g)

# --- scband reference (transcript-rebuilt; emitter-appended) ---
"""Pipeline reference for scband-ordered-gnn-66803921322663 (READ-ONLY COPY).

The authoritative reference and input builder live on the scoring server;
editing this copy changes nothing except your own understanding.
"""

import jax, jax.numpy as jnp
import numpy as np

N_NODES = 10000
N_EDGES = 320000
D = 128


def setup_inputs(seed: int = 0) -> dict:
    key = jax.random.key(seed)
    k1, k2, k3, k4, k5, k6 = jax.random.split(key, 6)
    x = jax.random.normal(k1, (N_NODES, D), dtype=jnp.float32)
    edge_index = jax.random.randint(k2, (2, N_EDGES), 0, N_NODES, dtype=jnp.int64)
    # learned parameters of the ordered_gnn_model layer
    W = jax.random.normal(k3, (2 * D, D), dtype=jnp.float32) * (1.0 / np.sqrt(2 * D))
    b = jnp.zeros((D,), dtype=jnp.float32)
    Wg = jax.random.normal(k4, (2 * D, D), dtype=jnp.float32) * (1.0 / np.sqrt(2 * D))
    bg = jnp.zeros((D,), dtype=jnp.float32)
    return {"x": x, "edge_index": edge_index, "W": W, "b": b, "Wg": Wg, "bg": bg}


def reference(x, edge_index, W, b, Wg, bg):
    # OrderedGNN wrapper: graph -> edge_index, then one ordered message-passing layer.
    src = edge_index[0]
    dst = edge_index[1]
    # gather neighbor (source) features along edges
    msg = jnp.take(x, src, axis=0)                              # [E, D] gather
    # scatter-add into destination nodes (mean aggregation)
    agg = jax.ops.segment_sum(msg, dst, num_segments=N_NODES)   # [N, D]
    deg = jax.ops.segment_sum(jnp.ones((N_EDGES,), dtype=jnp.float32), dst, num_segments=N_NODES)
    agg = agg / jnp.clip(deg, 1.0, None)[:, None]
    # ordered gating: tm = sigmoid(f([x, agg])); out = tm * x + (1 - tm) * h
    cat = jnp.concatenate([x, agg], axis=-1)                    # [N, 2D]
    h = jnp.tanh(cat @ W + b)                                   # [N, D]
    gate = jax.nn.sigmoid(cat @ Wg + bg)                        # [N, D]
    # cumulative-ordered soft gate (monotone along feature dim)
    gate = jnp.cumsum(gate, axis=-1) / jnp.arange(1, D + 1, dtype=jnp.float32)
    out = gate * x + (1.0 - gate) * h
    return out

if __name__ == "__main__":
    import jax
    _d = setup_inputs()
    print(jax.jit(kernel)(*tuple(_d.values())))

</pallas_src>

<mosaic_0001>
#map = affine_map<(d0, d1) -> (0, 0)>
#map1 = affine_map<(d0, d1) -> (0, 0, 0, 0)>
#map2 = affine_map<(d0, d1) -> (0, 0, 0)>
module attributes {stable_mosaic.version = 14 : i64} {
  func.func @_sc_edge_agg(%arg0: i32, %arg1: i32, %arg2: memref<10000x128xf32, #tpu.memory_space<hbm>>, %arg3: memref<2x16x80x128xi32, #tpu.memory_space<hbm>>, %arg4: memref<2x16x80x128xi32, #tpu.memory_space<hbm>>, %arg5: memref<640x128xf32, #tpu.memory_space<hbm>>, %arg6: memref<128x128xf32, #tpu.memory_space<hbm>>, %arg7: memref<2x10240x128xf32, #tpu.memory_space<hbm>>, %arg8: memref<2x10240x128xf32, #tpu.memory_space<hbm>>, %arg9: memref<10240x128xf32, #tpu.memory_space<vmem_shared>>, %arg10: memref<40x128xi32, #tpu.memory_space<vmem>>, %arg11: memref<40x128xi32, #tpu.memory_space<vmem>>, %arg12: memref<128x128xf32, #tpu.memory_space<vmem>>, %arg13: memref<128x128xf32, #tpu.memory_space<vmem>>, %arg14: memref<!tpu.dma_semaphore, #tpu.memory_space<semaphore_mem>>, %arg15: memref<!tpu.dma_semaphore, #tpu.memory_space<semaphore_mem>>) attributes {dimension_semantics = [#tpu.dimension_semantics<core_parallel>, #tpu.dimension_semantics<subcore_parallel>], iteration_bounds = array<i64: 2, 16>, scalar_prefetch = 0 : i64, scratch_operands = 7 : i64, tpu.core_type = #tpu.core_type<sc_vector_subcore>, window_params = [{transform_indices = #map}, {transform_indices = #map1}, {transform_indices = #map1}, {transform_indices = #map}, {transform_indices = #map}, {transform_indices = #map2}, {transform_indices = #map2}]} {
    %mul3A = arith.constant 640 : i32
    %mul3A_0 = arith.muli %arg1, %mul3A : i32
    "tpu.region"() ({
      %run_scoped3A = tpu.sem_alloc : memref<!tpu.dma_semaphore, #tpu.memory_space<semaphore_mem>>
      %dma_start3A = arith.constant 0 : i32
      %dma_start3A_15 = tpu.memref_slice %arg9[%mul3A_0, %dma_start3A] : memref<10240x128xf32, #tpu.memory_space<vmem_shared>> -> memref<640x128xf32, #tpu.memory_space<vmem_shared>>
      tpu.enqueue_dma source(%arg5 : memref<640x128xf32, #tpu.memory_space<hbm>>) target(%dma_start3A_15 : memref<640x128xf32, #tpu.memory_space<vmem_shared>>) target_semaphore(%run_scoped3A : memref<!tpu.dma_semaphore, #tpu.memory_space<semaphore_mem>>)
      %dma_wait3A = arith.constant 0 : i32
      %dma_wait3A_16 = tpu.memref_slice %arg9[%mul3A_0, %dma_wait3A] : memref<10240x128xf32, #tpu.memory_space<vmem_shared>> -> memref<640x128xf32, #tpu.memory_space<vmem_shared>>
      tpu.wait_dma2 semaphore(%run_scoped3A : memref<!tpu.dma_semaphore, #tpu.memory_space<semaphore_mem>>) src(%arg5 : memref<640x128xf32, #tpu.memory_space<hbm>>) dst(%dma_wait3A_16 : memref<640x128xf32, #tpu.memory_space<vmem_shared>>)
      tpu.yield
    }) : () -> ()
    %barrier3A = arith.constant 0 : index
    tpu.barrier barrier_id(%barrier3A)
    %scan3A = arith.constant 0 : i32
    %scan3A_1 = arith.constant 0 : i32
    %scan3A_2 = arith.constant 2 : i32
    %scan3A_3 = arith.addi %scan3A_1, %scan3A_2 : i32
    %scan3A_4 = arith.constant 1 : i32
    scf.for %scan3A_15 = %scan3A_1 to %scan3A_3 step %scan3A_4  : i32 {
      %mul3A_16 = arith.constant 40 : i32
      %mul3A_17 = arith.muli %scan3A_15, %mul3A_16 : i32
      "tpu.region"() ({
        %run_scoped3A_51 = tpu.sem_alloc : memref<!tpu.dma_semaphore, #tpu.memory_space<semaphore_mem>>
        %dma_start3A_52 = arith.constant 0 : i32
        %dma_start3A_53 = tpu.memref_slice %arg3[%arg0, %arg1, %mul3A_17, %dma_start3A_52] : memref<2x16x80x128xi32, #tpu.memory_space<hbm>> -> memref<1x1x40x128xi32, #tpu.memory_space<hbm>>
        %dma_start3A_54 = tpu.memref_squeeze %dma_start3A_53 : memref<1x1x40x128xi32, #tpu.memory_space<hbm>> -> memref<40x128xi32, #tpu.memory_space<hbm>>
        %dma_start3A_55 = arith.constant 0 : i32
        %dma_start3A_56 = tpu.memref_slice %arg3[%arg0, %arg1, %mul3A_17, %dma_start3A_55] : memref<2x16x80x128xi32, #tpu.memory_space<hbm>> -> memref<1x1x40x128xi32, #tpu.memory_space<hbm>>
        %dma_start3A_57 = tpu.memref_squeeze %dma_start3A_56 : memref<1x1x40x128xi32, #tpu.memory_space<hbm>> -> memref<40x128xi32, #tpu.memory_space<hbm>>
        tpu.enqueue_dma source(%dma_start3A_57 : memref<40x128xi32, #tpu.memory_space<hbm>>) target(%arg10 : memref<40x128xi32, #tpu.memory_space<vmem>>) target_semaphore(%run_scoped3A_51 : memref<!tpu.dma_semaphore, #tpu.memory_space<semaphore_mem>>)
        %dma_wait3A_58 = arith.constant 0 : i32
        %dma_wait3A_59 = tpu.memref_slice %arg3[%arg0, %arg1, %mul3A_17, %dma_wait3A_58] : memref<2x16x80x128xi32, #tpu.memory_space<hbm>> -> memref<1x1x40x128xi32, #tpu.memory_space<hbm>>
        %dma_wait3A_60 = tpu.memref_squeeze %dma_wait3A_59 : memref<1x1x40x128xi32, #tpu.memory_space<hbm>> -> memref<40x128xi32, #tpu.memory_space<hbm>>
        %dma_wait3A_61 = arith.constant 0 : i32
        %dma_wait3A_62 = tpu.memref_slice %arg3[%arg0, %arg1, %mul3A_17, %dma_wait3A_61] : memref<2x16x80x128xi32, #tpu.memory_space<hbm>> -> memref<1x1x40x128xi32, #tpu.memory_space<hbm>>
        %dma_wait3A_63 = tpu.memref_squeeze %dma_wait3A_62 : memref<1x1x40x128xi32, #tpu.memory_space<hbm>> -> memref<40x128xi32, #tpu.memory_space<hbm>>
        tpu.wait_dma2 semaphore(%run_scoped3A_51 : memref<!tpu.dma_semaphore, #tpu.memory_space<semaphore_mem>>) src(%dma_wait3A_63 : memref<40x128xi32, #tpu.memory_space<hbm>>) dst(%arg10 : memref<40x128xi32, #tpu.memory_space<vmem>>)
        tpu.yield
      }) : () -> ()
      "tpu.region"() ({
        %run_scoped3A_51 = tpu.sem_alloc : memref<!tpu.dma_semaphore, #tpu.memory_space<semaphore_mem>>
        %dma_start3A_52 = arith.constant 0 : i32
        %dma_start3A_53 = tpu.memref_slice %arg4[%arg0, %arg1, %mul3A_17, %dma_start3A_52] : memref<2x16x80x128xi32, #tpu.memory_space<hbm>> -> memref<1x1x40x128xi32, #tpu.memory_space<hbm>>
        %dma_start3A_54 = tpu.memref_squeeze %dma_start3A_53 : memref<1x1x40x128xi32, #tpu.memory_space<hbm>> -> memref<40x128xi32, #tpu.memory_space<hbm>>
        %dma_start3A_55 = arith.constant 0 : i32
        %dma_start3A_56 = tpu.memref_slice %arg4[%arg0, %arg1, %mul3A_17, %dma_start3A_55] : memref<2x16x80x128xi32, #tpu.memory_space<hbm>> -> memref<1x1x40x128xi32, #tpu.memory_space<hbm>>
        %dma_start3A_57 = tpu.memref_squeeze %dma_start3A_56 : memref<1x1x40x128xi32, #tpu.memory_space<hbm>> -> memref<40x128xi32, #tpu.memory_space<hbm>>
        tpu.enqueue_dma source(%dma_start3A_57 : memref<40x128xi32, #tpu.memory_space<hbm>>) target(%arg11 : memref<40x128xi32, #tpu.memory_space<vmem>>) target_semaphore(%run_scoped3A_51 : memref<!tpu.dma_semaphore, #tpu.memory_space<semaphore_mem>>)
        %dma_wait3A_58 = arith.constant 0 : i32
        %dma_wait3A_59 = tpu.memref_slice %arg4[%arg0, %arg1, %mul3A_17, %dma_wait3A_58] : memref<2x16x80x128xi32, #tpu.memory_space<hbm>> -> memref<1x1x40x128xi32, #tpu.memory_space<hbm>>
        %dma_wait3A_60 = tpu.memref_squeeze %dma_wait3A_59 : memref<1x1x40x128xi32, #tpu.memory_space<hbm>> -> memref<40x128xi32, #tpu.memory_space<hbm>>
        %dma_wait3A_61 = arith.constant 0 : i32
        %dma_wait3A_62 = tpu.memref_slice %arg4[%arg0, %arg1, %mul3A_17, %dma_wait3A_61] : memref<2x16x80x128xi32, #tpu.memory_space<hbm>> -> memref<1x1x40x128xi32, #tpu.memory_space<hbm>>
        %dma_wait3A_63 = tpu.memref_squeeze %dma_wait3A_62 : memref<1x1x40x128xi32, #tpu.memory_space<hbm>> -> memref<40x128xi32, #tpu.memory_space<hbm>>
        tpu.wait_dma2 semaphore(%run_scoped3A_51 : memref<!tpu.dma_semaphore, #tpu.memory_space<semaphore_mem>>) src(%dma_wait3A_63 : memref<40x128xi32, #tpu.memory_space<hbm>>) dst(%arg11 : memref<40x128xi32, #tpu.memory_space<vmem>>)
        tpu.yield
      }) : () -> ()
      %dma_start3A = arith.constant 0 : i32
      %dma_start3A_18 = arith.constant 0 : i32
      %dma_start3A_19 = tpu.memref_slice %arg10[%dma_start3A, %dma_start3A_18] : memref<40x128xi32, #tpu.memory_space<vmem>> -> memref<1x128xi32, #tpu.memory_space<vmem>>
      %dma_start3A_20 = tpu.memref_squeeze %dma_start3A_19 : memref<1x128xi32, #tpu.memory_space<vmem>> -> memref<128xi32, #tpu.memory_space<vmem>>
      %dma_start3A_21 = arith.constant 0 : i32
      %dma_start3A_22 = arith.constant 0 : i32
      %dma_start3A_23 = tpu.memref_slice %arg2[%dma_start3A_21, %dma_start3A_22] : memref<10000x128xf32, #tpu.memory_space<hbm>> -> memref<10000x128xf32, #tpu.memory_space<hbm>>
      tpu.enqueue_indirect_dma source(%dma_start3A_23 : memref<10000x128xf32, #tpu.memory_space<hbm>>) target(%arg12 : memref<128x128xf32, #tpu.memory_space<vmem>>) offsets(%dma_start3A_20 : memref<128xi32, #tpu.memory_space<vmem>>) semaphore(%arg14 : memref<!tpu.dma_semaphore, #tpu.memory_space<semaphore_mem>>)
      %scan3A_24 = arith.constant 0 : i32
      %scan3A_25 = arith.constant 0 : i32
      %scan3A_26 = arith.constant 19 : i32
      %scan3A_27 = arith.addi %scan3A_25, %scan3A_26 : i32
      %scan3A_28 = arith.constant 1 : i32
      scf.for %scan3A_51 = %scan3A_25 to %scan3A_27 step %scan3A_28  : i32 {
        %mul3A_52 = arith.constant 2 : i32
        %mul3A_53 = arith.muli %mul3A_52, %scan3A_51 : i32
        %add3A = arith.constant 1 : i32
        %add3A_54 = arith.addi %mul3A_53, %add3A : i32
        %dma_start3A_55 = arith.constant 0 : i32
        %dma_start3A_56 = tpu.memref_slice %arg10[%add3A_54, %dma_start3A_55] : memref<40x128xi32, #tpu.memory_space<vmem>> -> memref<1x128xi32, #tpu.memory_space<vmem>>
        %dma_start3A_57 = tpu.memref_squeeze %dma_start3A_56 : memref<1x128xi32, #tpu.memory_space<vmem>> -> memref<128xi32, #tpu.memory_space<vmem>>
        %dma_start3A_58 = arith.constant 0 : i32
        %dma_start3A_59 = arith.constant 0 : i32
        %dma_start3A_60 = tpu.memref_slice %arg2[%dma_start3A_58, %dma_start3A_59] : memref<10000x128xf32, #tpu.memory_space<hbm>> -> memref<10000x128xf32, #tpu.memory_space<hbm>>
        tpu.enqueue_indirect_dma source(%dma_start3A_60 : memref<10000x128xf32, #tpu.memory_space<hbm>>) target(%arg13 : memref<128x128xf32, #tpu.memory_space<vmem>>) offsets(%dma_start3A_57 : memref<128xi32, #tpu.memory_space<vmem>>) semaphore(%arg15 : memref<!tpu.dma_semaphore, #tpu.memory_space<semaphore_mem>>)
        %dma_wait3A_61 = arith.constant 0 : i32
        %dma_wait3A_62 = arith.constant 0 : i32
        %dma_wait3A_63 = tpu.memref_slice %arg10[%dma_wait3A_61, %dma_wait3A_62] : memref<40x128xi32, #tpu.memory_space<vmem>> -> memref<1x128xi32, #tpu.memory_space<vmem>>
        %dma_wait3A_64 = tpu.memref_squeeze %dma_wait3A_63 : memref<1x128xi32, #tpu.memory_space<vmem>> -> memref<128xi32, #tpu.memory_space<vmem>>
        %dma_wait3A_65 = arith.constant 0 : i32
        %dma_wait3A_66 = arith.constant 0 : i32
        %dma_wait3A_67 = tpu.memref_slice %arg2[%dma_wait3A_65, %dma_wait3A_66] : memref<10000x128xf32, #tpu.memory_space<hbm>> -> memref<10000x128xf32, #tpu.memory_space<hbm>>
        tpu.wait_indirect_dma semaphore(%arg14 : memref<!tpu.dma_semaphore, #tpu.memory_space<semaphore_mem>>) src(%dma_wait3A_67 : memref<10000x128xf32, #tpu.memory_space<hbm>>) dst(%arg12 : memref<128x128xf32, #tpu.memory_space<vmem>>)
        "tpu.region"() ({
          %run_scoped3A_85 = tpu.sem_alloc : memref<!tpu.dma_semaphore, #tpu.memory_space<semaphore_mem>>
          %dma_start3A_86 = arith.constant 0 : i32
          %dma_start3A_87 = tpu.memref_slice %arg11[%mul3A_53, %dma_start3A_86] : memref<40x128xi32, #tpu.memory_space<vmem>> -> memref<1x128xi32, #tpu.memory_space<vmem>>
          %dma_start3A_88 = tpu.memref_squeeze %dma_start3A_87 : memref<1x128xi32, #tpu.memory_space<vmem>> -> memref<128xi32, #tpu.memory_space<vmem>>
          %dma_start3A_89 = arith.constant 0 : i32
          %dma_start3A_90 = arith.constant 0 : i32
          %dma_start3A_91 = tpu.memref_slice %arg9[%dma_start3A_89, %dma_start3A_90] : memref<10240x128xf32, #tpu.memory_space<vmem_shared>> -> memref<10240x128xf32, #tpu.memory_space<vmem_shared>>
          tpu.enqueue_indirect_dma source(%arg12 : memref<128x128xf32, #tpu.memory_space<vmem>>) target(%dma_start3A_91 : memref<10240x128xf32, #tpu.memory_space<vmem_shared>>) offsets(%dma_start3A_88 : memref<128xi32, #tpu.memory_space<vmem>>) semaphore(%run_scoped3A_85 : memref<!tpu.dma_semaphore, #tpu.memory_space<semaphore_mem>>) {add = true}
          %dma_wait3A_92 = arith.constant 0 : i32
          %dma_wait3A_93 = tpu.memref_slice %arg11[%mul3A_53, %dma_wait3A_92] : memref<40x128xi32, #tpu.memory_space<vmem>> -> memref<1x128xi32, #tpu.memory_space<vmem>>
          %dma_wait3A_94 = tpu.memref_squeeze %dma_wait3A_93 : memref<1x128xi32, #tpu.memory_space<vmem>> -> memref<128xi32, #tpu.memory_space<vmem>>
          %dma_wait3A_95 = arith.constant 0 : i32
          %dma_wait3A_96 = arith.constant 0 : i32
          %dma_wait3A_97 = tpu.memref_slice %arg9[%dma_wait3A_95, %dma_wait3A_96] : memref<10240x128xf32, #tpu.memory_space<vmem_shared>> -> memref<10240x128xf32, #tpu.memory_space<vmem_shared>>
          tpu.wait_indirect_dma semaphore(%run_scoped3A_85 : memref<!tpu.dma_semaphore, #tpu.memory_space<semaphore_mem>>) src(%arg12 : memref<128x128xf32, #tpu.memory_space<vmem>>) dst(%dma_wait3A_97 : memref<10240x128xf32, #tpu.memory_space<vmem_shared>>)
          tpu.yield
        }) : () -> ()
        %add3A_68 = arith.constant 2 : i32
        %add3A_69 = arith.addi %mul3A_53, %add3A_68 : i32
        %dma_start3A_70 = arith.constant 0 : i32
        %dma_start3A_71 = tpu.memref_slice %arg10[%add3A_69, %dma_start3A_70] : memref<40x128xi32, #tpu.memory_space<vmem>> -> memref<1x128xi32, #tpu.memory_space<vmem>>
        %dma_start3A_72 = tpu.memref_squeeze %dma_start3A_71 : memref<1x128xi32, #tpu.memory_space<vmem>> -> memref<128xi32, #tpu.memory_space<vmem>>
        %dma_start3A_73 = arith.constant 0 : i32
        %dma_start3A_74 = arith.constant 0 : i32
        %dma_start3A_75 = tpu.memref_slice %arg2[%dma_start3A_73, %dma_start3A_74] : memref<10000x128xf32, #tpu.memory_space<hbm>> -> memref<10000x128xf32, #tpu.memory_space<hbm>>
        tpu.enqueue_indirect_dma source(%dma_start3A_75 : memref<10000x128xf32, #tpu.memory_space<hbm>>) target(%arg12 : memref<128x128xf32, #tpu.memory_space<vmem>>) offsets(%dma_start3A_72 : memref<128xi32, #tpu.memory_space<vmem>>) semaphore(%arg14 : memref<!tpu.dma_semaphore, #tpu.memory_space<semaphore_mem>>)
        %dma_wait3A_76 = arith.constant 0 : i32
        %dma_wait3A_77 = arith.constant 0 : i32
        %dma_wait3A_78 = tpu.memref_slice %arg10[%dma_wait3A_76, %dma_wait3A_77] : memref<40x128xi32, #tpu.memory_space<vmem>> -> memref<1x128xi32, #tpu.memory_space<vmem>>
        %dma_wait3A_79 = tpu.memref_squeeze %dma_wait3A_78 : memref<1x128xi32, #tpu.memory_space<vmem>> -> memref<128xi32, #tpu.memory_space<vmem>>
        %dma_wait3A_80 = arith.constant 0 : i32
        %dma_wait3A_81 = arith.constant 0 : i32
        %dma_wait3A_82 = tpu.memref_slice %arg2[%dma_wait3A_80, %dma_wait3A_81] : memref<10000x128xf32, #tpu.memory_space<hbm>> -> memref<10000x128xf32, #tpu.memory_space<hbm>>
        tpu.wait_indirect_dma semaphore(%arg15 : memref<!tpu.dma_semaphore, #tpu.memory_space<semaphore_mem>>) src(%dma_wait3A_82 : memref<10000x128xf32, #tpu.memory_space<hbm>>) dst(%arg13 : memref<128x128xf32, #tpu.memory_space<vmem>>)
        %add3A_83 = arith.constant 1 : i32
        %add3A_84 = arith.addi %mul3A_53, %add3A_83 : i32
        "tpu.region"() ({
          %run_scoped3A_85 = tpu.sem_alloc : memref<!tpu.dma_semaphore, #tpu.memory_space<semaphore_mem>>
          %dma_start3A_86 = arith.constant 0 : i32
          %dma_start3A_87 = tpu.memref_slice %arg11[%add3A_84, %dma_start3A_86] : memref<40x128xi32, #tpu.memory_space<vmem>> -> memref<1x128xi32, #tpu.memory_space<vmem>>
          %dma_start3A_88 = tpu.memref_squeeze %dma_start3A_87 : memref<1x128xi32, #tpu.memory_space<vmem>> -> memref<128xi32, #tpu.memory_space<vmem>>
          %dma_start3A_89 = arith.constant 0 : i32
          %dma_start3A_90 = arith.constant 0 : i32
          %dma_start3A_91 = tpu.memref_slice %arg9[%dma_start3A_89, %dma_start3A_90] : memref<10240x128xf32, #tpu.memory_space<vmem_shared>> -> memref<10240x128xf32, #tpu.memory_space<vmem_shared>>
          tpu.enqueue_indirect_dma source(%arg13 : memref<128x128xf32, #tpu.memory_space<vmem>>) target(%dma_start3A_91 : memref<10240x128xf32, #tpu.memory_space<vmem_shared>>) offsets(%dma_start3A_88 : memref<128xi32, #tpu.memory_space<vmem>>) semaphore(%run_scoped3A_85 : memref<!tpu.dma_semaphore, #tpu.memory_space<semaphore_mem>>) {add = true}
          %dma_wait3A_92 = arith.constant 0 : i32
          %dma_wait3A_93 = tpu.memref_slice %arg11[%add3A_84, %dma_wait3A_92] : memref<40x128xi32, #tpu.memory_space<vmem>> -> memref<1x128xi32, #tpu.memory_space<vmem>>
          %dma_wait3A_94 = tpu.memref_squeeze %dma_wait3A_93 : memref<1x128xi32, #tpu.memory_space<vmem>> -> memref<128xi32, #tpu.memory_space<vmem>>
          %dma_wait3A_95 = arith.constant 0 : i32
          %dma_wait3A_96 = arith.constant 0 : i32
          %dma_wait3A_97 = tpu.memref_slice %arg9[%dma_wait3A_95, %dma_wait3A_96] : memref<10240x128xf32, #tpu.memory_space<vmem_shared>> -> memref<10240x128xf32, #tpu.memory_space<vmem_shared>>
          tpu.wait_indirect_dma semaphore(%run_scoped3A_85 : memref<!tpu.dma_semaphore, #tpu.memory_space<semaphore_mem>>) src(%arg13 : memref<128x128xf32, #tpu.memory_space<vmem>>) dst(%dma_wait3A_97 : memref<10240x128xf32, #tpu.memory_space<vmem_shared>>)
          tpu.yield
        }) : () -> ()
      }
      %scan3A_29 = arith.constant 19 : i32
      %dma_start3A_30 = arith.constant 39 : i32
      %dma_start3A_31 = arith.constant 0 : i32
      %dma_start3A_32 = tpu.memref_slice %arg10[%dma_start3A_30, %dma_start3A_31] : memref<40x128xi32, #tpu.memory_space<vmem>> -> memref<1x128xi32, #tpu.memory_space<vmem>>
      %dma_start3A_33 = tpu.memref_squeeze %dma_start3A_32 : memref<1x128xi32, #tpu.memory_space<vmem>> -> memref<128xi32, #tpu.memory_space<vmem>>
      %dma_start3A_34 = arith.constant 0 : i32
      %dma_start3A_35 = arith.constant 0 : i32
      %dma_start3A_36 = tpu.memref_slice %arg2[%dma_start3A_34, %dma_start3A_35] : memref<10000x128xf32, #tpu.memory_space<hbm>> -> memref<10000x128xf32, #tpu.memory_space<hbm>>
      tpu.enqueue_indirect_dma source(%dma_start3A_36 : memref<10000x128xf32, #tpu.memory_space<hbm>>) target(%arg13 : memref<128x128xf32, #tpu.memory_space<vmem>>) offsets(%dma_start3A_33 : memref<128xi32, #tpu.memory_space<vmem>>) semaphore(%arg15 : memref<!tpu.dma_semaphore, #tpu.memory_space<semaphore_mem>>)
      %dma_wait3A = arith.constant 0 : i32
      %dma_wait3A_37 = arith.constant 0 : i32
      %dma_wait3A_38 = tpu.memref_slice %arg10[%dma_wait3A, %dma_wait3A_37] : memref<40x128xi32, #tpu.memory_space<vmem>> -> memref<1x128xi32, #tpu.memory_space<vmem>>
      %dma_wait3A_39 = tpu.memref_squeeze %dma_wait3A_38 : memref<1x128xi32, #tpu.memory_space<vmem>> -> memref<128xi32, #tpu.memory_space<vmem>>
      %dma_wait3A_40 = arith.constant 0 : i32
      %dma_wait3A_41 = arith.constant 0 : i32
      %dma_wait3A_42 = tpu.memref_slice %arg2[%dma_wait3A_40, %dma_wait3A_41] : memref<10000x128xf32, #tpu.memory_space<hbm>> -> memref<10000x128xf32, #tpu.memory_space<hbm>>
      tpu.wait_indirect_dma semaphore(%arg14 : memref<!tpu.dma_semaphore, #tpu.memory_space<semaphore_mem>>) src(%dma_wait3A_42 : memref<10000x128xf32, #tpu.memory_space<hbm>>) dst(%arg12 : memref<128x128xf32, #tpu.memory_space<vmem>>)
      %run_scoped3A = arith.constant 38 : i32
      "tpu.region"() ({
        %run_scoped3A_51 = tpu.sem_alloc : memref<!tpu.dma_semaphore, #tpu.memory_space<semaphore_mem>>
        %dma_start3A_52 = arith.constant 0 : i32
        %dma_start3A_53 = tpu.memref_slice %arg11[%run_scoped3A, %dma_start3A_52] : memref<40x128xi32, #tpu.memory_space<vmem>> -> memref<1x128xi32, #tpu.memory_space<vmem>>
        %dma_start3A_54 = tpu.memref_squeeze %dma_start3A_53 : memref<1x128xi32, #tpu.memory_space<vmem>> -> memref<128xi32, #tpu.memory_space<vmem>>
        %dma_start3A_55 = arith.constant 0 : i32
        %dma_start3A_56 = arith.constant 0 : i32
        %dma_start3A_57 = tpu.memref_slice %arg9[%dma_start3A_55, %dma_start3A_56] : memref<10240x128xf32, #tpu.memory_space<vmem_shared>> -> memref<10240x128xf32, #tpu.memory_space<vmem_shared>>
        tpu.enqueue_indirect_dma source(%arg12 : memref<128x128xf32, #tpu.memory_space<vmem>>) target(%dma_start3A_57 : memref<10240x128xf32, #tpu.memory_space<vmem_shared>>) offsets(%dma_start3A_54 : memref<128xi32, #tpu.memory_space<vmem>>) semaphore(%run_scoped3A_51 : memref<!tpu.dma_semaphore, #tpu.memory_space<semaphore_mem>>) {add = true}
        %dma_wait3A_58 = arith.constant 0 : i32
        %dma_wait3A_59 = tpu.memref_slice %arg11[%run_scoped3A, %dma_wait3A_58] : memref<40x128xi32, #tpu.memory_space<vmem>> -> memref<1x128xi32, #tpu.memory_space<vmem>>
        %dma_wait3A_60 = tpu.memref_squeeze %dma_wait3A_59 : memref<1x128xi32, #tpu.memory_space<vmem>> -> memref<128xi32, #tpu.memory_space<vmem>>
        %dma_wait3A_61 = arith.constant 0 : i32
        %dma_wait3A_62 = arith.constant 0 : i32
        %dma_wait3A_63 = tpu.memref_slice %arg9[%dma_wait3A_61, %dma_wait3A_62] : memref<10240x128xf32, #tpu.memory_space<vmem_shared>> -> memref<10240x128xf32, #tpu.memory_space<vmem_shared>>
        tpu.wait_indirect_dma semaphore(%run_scoped3A_51 : memref<!tpu.dma_semaphore, #tpu.memory_space<semaphore_mem>>) src(%arg12 : memref<128x128xf32, #tpu.memory_space<vmem>>) dst(%dma_wait3A_63 : memref<10240x128xf32, #tpu.memory_space<vmem_shared>>)
        tpu.yield
      }) : () -> ()
      %dma_wait3A_43 = arith.constant 0 : i32
      %dma_wait3A_44 = arith.constant 0 : i32
      %dma_wait3A_45 = tpu.memref_slice %arg10[%dma_wait3A_43, %dma_wait3A_44] : memref<40x128xi32, #tpu.memory_space<vmem>> -> memref<1x128xi32, #tpu.memory_space<vmem>>
      %dma_wait3A_46 = tpu.memref_squeeze %dma_wait3A_45 : memref<1x128xi32, #tpu.memory_space<vmem>> -> memref<128xi32, #tpu.memory_space<vmem>>
      %dma_wait3A_47 = arith.constant 0 : i32
      %dma_wait3A_48 = arith.constant 0 : i32
      %dma_wait3A_49 = tpu.memref_slice %arg2[%dma_wait3A_47, %dma_wait3A_48] : memref<10000x128xf32, #tpu.memory_space<hbm>> -> memref<10000x128xf32, #tpu.memory_space<hbm>>
      tpu.wait_indirect_dma semaphore(%arg15 : memref<!tpu.dma_semaphore, #tpu.memory_space<semaphore_mem>>) src(%dma_wait3A_49 : memref<10000x128xf32, #tpu.memory_space<hbm>>) dst(%arg13 : memref<128x128xf32, #tpu.memory_space<vmem>>)
      %run_scoped3A_50 = arith.constant 39 : i32
      "tpu.region"() ({
        %run_scoped3A_51 = tpu.sem_alloc : memref<!tpu.dma_semaphore, #tpu.memory_space<semaphore_mem>>
        %dma_start3A_52 = arith.constant 0 : i32
        %dma_start3A_53 = tpu.memref_slice %arg11[%run_scoped3A_50, %dma_start3A_52] : memref<40x128xi32, #tpu.memory_space<vmem>> -> memref<1x128xi32, #tpu.memory_space<vmem>>
        %dma_start3A_54 = tpu.memref_squeeze %dma_start3A_53 : memref<1x128xi32, #tpu.memory_space<vmem>> -> memref<128xi32, #tpu.memory_space<vmem>>
        %dma_start3A_55 = arith.constant 0 : i32
        %dma_start3A_56 = arith.constant 0 : i32
        %dma_start3A_57 = tpu.memref_slice %arg9[%dma_start3A_55, %dma_start3A_56] : memref<10240x128xf32, #tpu.memory_space<vmem_shared>> -> memref<10240x128xf32, #tpu.memory_space<vmem_shared>>
        tpu.enqueue_indirect_dma source(%arg13 : memref<128x128xf32, #tpu.memory_space<vmem>>) target(%dma_start3A_57 : memref<10240x128xf32, #tpu.memory_space<vmem_shared>>) offsets(%dma_start3A_54 : memref<128xi32, #tpu.memory_space<vmem>>) semaphore(%run_scoped3A_51 : memref<!tpu.dma_semaphore, #tpu.memory_space<semaphore_mem>>) {add = true}
        %dma_wait3A_58 = arith.constant 0 : i32
        %dma_wait3A_59 = tpu.memref_slice %arg11[%run_scoped3A_50, %dma_wait3A_58] : memref<40x128xi32, #tpu.memory_space<vmem>> -> memref<1x128xi32, #tpu.memory_space<vmem>>
        %dma_wait3A_60 = tpu.memref_squeeze %dma_wait3A_59 : memref<1x128xi32, #tpu.memory_space<vmem>> -> memref<128xi32, #tpu.memory_space<vmem>>
        %dma_wait3A_61 = arith.constant 0 : i32
        %dma_wait3A_62 = arith.constant 0 : i32
        %dma_wait3A_63 = tpu.memref_slice %arg9[%dma_wait3A_61, %dma_wait3A_62] : memref<10240x128xf32, #tpu.memory_space<vmem_shared>> -> memref<10240x128xf32, #tpu.memory_space<vmem_shared>>
        tpu.wait_indirect_dma semaphore(%run_scoped3A_51 : memref<!tpu.dma_semaphore, #tpu.memory_space<semaphore_mem>>) src(%arg13 : memref<128x128xf32, #tpu.memory_space<vmem>>) dst(%dma_wait3A_63 : memref<10240x128xf32, #tpu.memory_space<vmem_shared>>)
        tpu.yield
      }) : () -> ()
    }
    %scan3A_5 = arith.constant 2 : i32
    %barrier3A_6 = arith.constant 0 : index
    tpu.barrier barrier_id(%barrier3A_6)
    "tpu.region"() ({
      %run_scoped3A = tpu.sem_alloc : memref<!tpu.dma_semaphore, #tpu.memory_space<semaphore_mem>>
      %dma_start3A = arith.constant 0 : i32
      %dma_start3A_15 = tpu.memref_slice %arg7[%arg0, %mul3A_0, %dma_start3A] : memref<2x10240x128xf32, #tpu.memory_space<hbm>> -> memref<1x640x128xf32, #tpu.memory_space<hbm>>
      %dma_start3A_16 = tpu.memref_squeeze %dma_start3A_15 : memref<1x640x128xf32, #tpu.memory_space<hbm>> -> memref<640x128xf32, #tpu.memory_space<hbm>>
      %dma_start3A_17 = arith.constant 0 : i32
      %dma_start3A_18 = tpu.memref_slice %arg9[%mul3A_0, %dma_start3A_17] : memref<10240x128xf32, #tpu.memory_space<vmem_shared>> -> memref<640x128xf32, #tpu.memory_space<vmem_shared>>
      tpu.enqueue_dma source(%dma_start3A_18 : memref<640x128xf32, #tpu.memory_space<vmem_shared>>) target(%dma_start3A_16 : memref<640x128xf32, #tpu.memory_space<hbm>>) target_semaphore(%run_scoped3A : memref<!tpu.dma_semaphore, #tpu.memory_space<semaphore_mem>>)
      %dma_wait3A = arith.constant 0 : i32
      %dma_wait3A_19 = tpu.memref_slice %arg7[%arg0, %mul3A_0, %dma_wait3A] : memref<2x10240x128xf32, #tpu.memory_space<hbm>> -> memref<1x640x128xf32, #tpu.memory_space<hbm>>
      %dma_wait3A_20 = tpu.memref_squeeze %dma_wait3A_19 : memref<1x640x128xf32, #tpu.memory_space<hbm>> -> memref<640x128xf32, #tpu.memory_space<hbm>>
      %dma_wait3A_21 = arith.constant 0 : i32
      %dma_wait3A_22 = tpu.memref_slice %arg9[%mul3A_0, %dma_wait3A_21] : memref<10240x128xf32, #tpu.memory_space<vmem_shared>> -> memref<640x128xf32, #tpu.memory_space<vmem_shared>>
      tpu.wait_dma2 semaphore(%run_scoped3A : memref<!tpu.dma_semaphore, #tpu.memory_space<semaphore_mem>>) src(%dma_wait3A_22 : memref<640x128xf32, #tpu.memory_space<vmem_shared>>) dst(%dma_wait3A_20 : memref<640x128xf32, #tpu.memory_space<hbm>>)
      tpu.yield
    }) : () -> ()
    "tpu.region"() ({
      %run_scoped3A = tpu.sem_alloc : memref<!tpu.dma_semaphore, #tpu.memory_space<semaphore_mem>>
      %dma_start3A = arith.constant 0 : i32
      %dma_start3A_15 = tpu.memref_slice %arg9[%mul3A_0, %dma_start3A] : memref<10240x128xf32, #tpu.memory_space<vmem_shared>> -> memref<640x128xf32, #tpu.memory_space<vmem_shared>>
      tpu.enqueue_dma source(%arg5 : memref<640x128xf32, #tpu.memory_space<hbm>>) target(%dma_start3A_15 : memref<640x128xf32, #tpu.memory_space<vmem_shared>>) target_semaphore(%run_scoped3A : memref<!tpu.dma_semaphore, #tpu.memory_space<semaphore_mem>>)
      %dma_wait3A = arith.constant 0 : i32
      %dma_wait3A_16 = tpu.memref_slice %arg9[%mul3A_0, %dma_wait3A] : memref<10240x128xf32, #tpu.memory_space<vmem_shared>> -> memref<640x128xf32, #tpu.memory_space<vmem_shared>>
      tpu.wait_dma2 semaphore(%run_scoped3A : memref<!tpu.dma_semaphore, #tpu.memory_space<semaphore_mem>>) src(%arg5 : memref<640x128xf32, #tpu.memory_space<hbm>>) dst(%dma_wait3A_16 : memref<640x128xf32, #tpu.memory_space<vmem_shared>>)
      tpu.yield
    }) : () -> ()
    %barrier3A_7 = arith.constant 0 : index
    tpu.barrier barrier_id(%barrier3A_7)
    "tpu.region"() ({
      %run_scoped3A = tpu.sem_alloc : memref<!tpu.dma_semaphore, #tpu.memory_space<semaphore_mem>>
      tpu.enqueue_dma source(%arg6 : memref<128x128xf32, #tpu.memory_space<hbm>>) target(%arg12 : memref<128x128xf32, #tpu.memory_space<vmem>>) target_semaphore(%run_scoped3A : memref<!tpu.dma_semaphore, #tpu.memory_space<semaphore_mem>>)
      tpu.wait_dma2 semaphore(%run_scoped3A : memref<!tpu.dma_semaphore, #tpu.memory_space<semaphore_mem>>) src(%arg6 : memref<128x128xf32, #tpu.memory_space<hbm>>) dst(%arg12 : memref<128x128xf32, #tpu.memory_space<vmem>>)
      tpu.yield
    }) : () -> ()
    %scan3A_8 = arith.constant 0 : i32
    %scan3A_9 = arith.constant 0 : i32
    %scan3A_10 = arith.constant 2 : i32
    %scan3A_11 = arith.addi %scan3A_9, %scan3A_10 : i32
    %scan3A_12 = arith.constant 1 : i32
    scf.for %scan3A_15 = %scan3A_9 to %scan3A_11 step %scan3A_12  : i32 {
      %mul3A_16 = arith.constant 40 : i32
      %mul3A_17 = arith.muli %scan3A_15, %mul3A_16 : i32
      "tpu.region"() ({
        %run_scoped3A = tpu.sem_alloc : memref<!tpu.dma_semaphore, #tpu.memory_space<semaphore_mem>>
        %dma_start3A = arith.constant 0 : i32
        %dma_start3A_24 = tpu.memref_slice %arg4[%arg0, %arg1, %mul3A_17, %dma_start3A] : memref<2x16x80x128xi32, #tpu.memory_space<hbm>> -> memref<1x1x40x128xi32, #tpu.memory_space<hbm>>
        %dma_start3A_25 = tpu.memref_squeeze %dma_start3A_24 : memref<1x1x40x128xi32, #tpu.memory_space<hbm>> -> memref<40x128xi32, #tpu.memory_space<hbm>>
        %dma_start3A_26 = arith.constant 0 : i32
        %dma_start3A_27 = tpu.memref_slice %arg4[%arg0, %arg1, %mul3A_17, %dma_start3A_26] : memref<2x16x80x128xi32, #tpu.memory_space<hbm>> -> memref<1x1x40x128xi32, #tpu.memory_space<hbm>>
        %dma_start3A_28 = tpu.memref_squeeze %dma_start3A_27 : memref<1x1x40x128xi32, #tpu.memory_space<hbm>> -> memref<40x128xi32, #tpu.memory_space<hbm>>
        tpu.enqueue_dma source(%dma_start3A_28 : memref<40x128xi32, #tpu.memory_space<hbm>>) target(%arg11 : memref<40x128xi32, #tpu.memory_space<vmem>>) target_semaphore(%run_scoped3A : memref<!tpu.dma_semaphore, #tpu.memory_space<semaphore_mem>>)
        %dma_wait3A = arith.constant 0 : i32
        %dma_wait3A_29 = tpu.memref_slice %arg4[%arg0, %arg1, %mul3A_17, %dma_wait3A] : memref<2x16x80x128xi32, #tpu.memory_space<hbm>> -> memref<1x1x40x128xi32, #tpu.memory_space<hbm>>
        %dma_wait3A_30 = tpu.memref_squeeze %dma_wait3A_29 : memref<1x1x40x128xi32, #tpu.memory_space<hbm>> -> memref<40x128xi32, #tpu.memory_space<hbm>>
        %dma_wait3A_31 = arith.constant 0 : i32
        %dma_wait3A_32 = tpu.memref_slice %arg4[%arg0, %arg1, %mul3A_17, %dma_wait3A_31] : memref<2x16x80x128xi32, #tpu.memory_space<hbm>> -> memref<1x1x40x128xi32, #tpu.memory_space<hbm>>
        %dma_wait3A_33 = tpu.memref_squeeze %dma_wait3A_32 : memref<1x1x40x128xi32, #tpu.memory_space<hbm>> -> memref<40x128xi32, #tpu.memory_space<hbm>>
        tpu.wait_dma2 semaphore(%run_scoped3A : memref<!tpu.dma_semaphore, #tpu.memory_space<semaphore_mem>>) src(%dma_wait3A_33 : memref<40x128xi32, #tpu.memory_space<hbm>>) dst(%arg11 : memref<40x128xi32, #tpu.memory_space<vmem>>)
        tpu.yield
      }) : () -> ()
      %scan3A_18 = arith.constant 0 : i32
      %scan3A_19 = arith.constant 0 : i32
      %scan3A_20 = arith.constant 5 : i32
      %scan3A_21 = arith.addi %scan3A_19, %scan3A_20 : i32
      %scan3A_22 = arith.constant 1 : i32
      scf.for %scan3A_24 = %scan3A_19 to %scan3A_21 step %scan3A_22  : i32 {
        %mul3A_25 = arith.constant 8 : i32
        %mul3A_26 = arith.muli %scan3A_24, %mul3A_25 : i32
        %add3A = arith.constant 0 : i32
        %add3A_27 = arith.addi %mul3A_26, %add3A : i32
        %dma_start3A = arith.constant 0 : i32
        %dma_start3A_28 = tpu.memref_slice %arg11[%add3A_27, %dma_start3A] : memref<40x128xi32, #tpu.memory_space<vmem>> -> memref<1x128xi32, #tpu.memory_space<vmem>>
        %dma_start3A_29 = tpu.memref_squeeze %dma_start3A_28 : memref<1x128xi32, #tpu.memory_space<vmem>> -> memref<128xi32, #tpu.memory_space<vmem>>
        %dma_start3A_30 = arith.constant 0 : i32
        %dma_start3A_31 = arith.constant 0 : i32
        %dma_start3A_32 = tpu.memref_slice %arg9[%dma_start3A_30, %dma_start3A_31] : memref<10240x128xf32, #tpu.memory_space<vmem_shared>> -> memref<10240x128xf32, #tpu.memory_space<vmem_shared>>
        tpu.enqueue_indirect_dma source(%arg12 : memref<128x128xf32, #tpu.memory_space<vmem>>) target(%dma_start3A_32 : memref<10240x128xf32, #tpu.memory_space<vmem_shared>>) offsets(%dma_start3A_29 : memref<128xi32, #tpu.memory_space<vmem>>) semaphore(%arg14 : memref<!tpu.dma_semaphore, #tpu.memory_space<semaphore_mem>>) {add = true}
        %add3A_33 = arith.constant 1 : i32
        %add3A_34 = arith.addi %mul3A_26, %add3A_33 : i32
        %dma_start3A_35 = arith.constant 0 : i32
        %dma_start3A_36 = tpu.memref_slice %arg11[%add3A_34, %dma_start3A_35] : memref<40x128xi32, #tpu.memory_space<vmem>> -> memref<1x128xi32, #tpu.memory_space<vmem>>
        %dma_start3A_37 = tpu.memref_squeeze %dma_start3A_36 : memref<1x128xi32, #tpu.memory_space<vmem>> -> memref<128xi32, #tpu.memory_space<vmem>>
        %dma_start3A_38 = arith.constant 0 : i32
        %dma_start3A_39 = arith.constant 0 : i32
        %dma_start3A_40 = tpu.memref_slice %arg9[%dma_start3A_38, %dma_start3A_39] : memref<10240x128xf32, #tpu.memory_space<vmem_shared>> -> memref<10240x128xf32, #tpu.memory_space<vmem_shared>>
        tpu.enqueue_indirect_dma source(%arg12 : memref<128x128xf32, #tpu.memory_space<vmem>>) target(%dma_start3A_40 : memref<10240x128xf32, #tpu.memory_space<vmem_shared>>) offsets(%dma_start3A_37 : memref<128xi32, #tpu.memory_space<vmem>>) semaphore(%arg14 : memref<!tpu.dma_semaphore, #tpu.memory_space<semaphore_mem>>) {add = true}
        %add3A_41 = arith.constant 2 : i32
        %add3A_42 = arith.addi %mul3A_26, %add3A_41 : i32
        %dma_start3A_43 = arith.constant 0 : i32
        %dma_start3A_44 = tpu.memref_slice %arg11[%add3A_42, %dma_start3A_43] : memref<40x128xi32, #tpu.memory_space<vmem>> -> memref<1x128xi32, #tpu.memory_space<vmem>>
        %dma_start3A_45 = tpu.memref_squeeze %dma_start3A_44 : memref<1x128xi32, #tpu.memory_space<vmem>> -> memref<128xi32, #tpu.memory_space<vmem>>
        %dma_start3A_46 = arith.constant 0 : i32
        %dma_start3A_47 = arith.constant 0 : i32
        %dma_start3A_48 = tpu.memref_slice %arg9[%dma_start3A_46, %dma_start3A_47] : memref<10240x128xf32, #tpu.memory_space<vmem_shared>> -> memref<10240x128xf32, #tpu.memory_space<vmem_shared>>
        tpu.enqueue_indirect_dma source(%arg12 : memref<128x128xf32, #tpu.memory_space<vmem>>) target(%dma_start3A_48 : memref<10240x128xf32, #tpu.memory_space<vmem_shared>>) offsets(%dma_start3A_45 : memref<128xi32, #tpu.memory_space<vmem>>) semaphore(%arg14 : memref<!tpu.dma_semaphore, #tpu.memory_space<semaphore_mem>>) {add = true}
        %add3A_49 = arith.constant 3 : i32
        %add3A_50 = arith.addi %mul3A_26, %add3A_49 : i32
        %dma_start3A_51 = arith.constant 0 : i32
        %dma_start3A_52 = tpu.memref_slice %arg11[%add3A_50, %dma_start3A_51] : memref<40x128xi32, #tpu.memory_space<vmem>> -> memref<1x128xi32, #tpu.memory_space<vmem>>
        %dma_start3A_53 = tpu.memref_squeeze %dma_start3A_52 : memref<1x128xi32, #tpu.memory_space<vmem>> -> memref<128xi32, #tpu.memory_space<vmem>>
        %dma_start3A_54 = arith.constant 0 : i32
        %dma_start3A_55 = arith.constant 0 : i32
        %dma_start3A_56 = tpu.memref_slice %arg9[%dma_start3A_54, %dma_start3A_55] : memref<10240x128xf32, #tpu.memory_space<vmem_shared>> -> memref<10240x128xf32, #tpu.memory_space<vmem_shared>>
        tpu.enqueue_indirect_dma source(%arg12 : memref<128x128xf32, #tpu.memory_space<vmem>>) target(%dma_start3A_56 : memref<10240x128xf32, #tpu.memory_space<vmem_shared>>) offsets(%dma_start3A_53 : memref<128xi32, #tpu.memory_space<vmem>>) semaphore(%arg14 : memref<!tpu.dma_semaphore, #tpu.memory_space<semaphore_mem>>) {add = true}
        %add3A_57 = arith.constant 4 : i32
        %add3A_58 = arith.addi %mul3A_26, %add3A_57 : i32
        %dma_start3A_59 = arith.constant 0 : i32
        %dma_start3A_60 = tpu.memref_slice %arg11[%add3A_58, %dma_start3A_59] : memref<40x128xi32, #tpu.memory_space<vmem>> -> memref<1x128xi32, #tpu.memory_space<vmem>>
        %dma_start3A_61 = tpu.memref_squeeze %dma_start3A_60 : memref<1x128xi32, #tpu.memory_space<vmem>> -> memref<128xi32, #tpu.memory_space<vmem>>
        %dma_start3A_62 = arith.constant 0 : i32
        %dma_start3A_63 = arith.constant 0 : i32
        %dma_start3A_64 = tpu.memref_slice %arg9[%dma_start3A_62, %dma_start3A_63] : memref<10240x128xf32, #tpu.memory_space<vmem_shared>> -> memref<10240x128xf32, #tpu.memory_space<vmem_shared>>
        tpu.enqueue_indirect_dma source(%arg12 : memref<128x128xf32, #tpu.memory_space<vmem>>) target(%dma_start3A_64 : memref<10240x128xf32, #tpu.memory_space<vmem_shared>>) offsets(%dma_start3A_61 : memref<128xi32, #tpu.memory_space<vmem>>) semaphore(%arg14 : memref<!tpu.dma_semaphore, #tpu.memory_space<semaphore_mem>>) {add = true}
        %add3A_65 = arith.constant 5 : i32
        %add3A_66 = arith.addi %mul3A_26, %add3A_65 : i32
        %dma_start3A_67 = arith.constant 0 : i32
        %dma_start3A_68 = tpu.memref_slice %arg11[%add3A_66, %dma_start3A_67] : memref<40x128xi32, #tpu.memory_space<vmem>> -> memref<1x128xi32, #tpu.memory_space<vmem>>
        %dma_start3A_69 = tpu.memref_squeeze %dma_start3A_68 : memref<1x128xi32, #tpu.memory_space<vmem>> -> memref<128xi32, #tpu.memory_space<vmem>>
        %dma_start3A_70 = arith.constant 0 : i32
        %dma_start3A_71 = arith.constant 0 : i32
        %dma_start3A_72 = tpu.memref_slice %arg9[%dma_start3A_70, %dma_start3A_71] : memref<10240x128xf32, #tpu.memory_space<vmem_shared>> -> memref<10240x128xf32, #tpu.memory_space<vmem_shared>>
        tpu.enqueue_indirect_dma source(%arg12 : memref<128x128xf32, #tpu.memory_space<vmem>>) target(%dma_start3A_72 : memref<10240x128xf32, #tpu.memory_space<vmem_shared>>) offsets(%dma_start3A_69 : memref<128xi32, #tpu.memory_space<vmem>>) semaphore(%arg14 : memref<!tpu.dma_semaphore, #tpu.memory_space<semaphore_mem>>) {add = true}
        %add3A_73 = arith.constant 6 : i32
        %add3A_74 = arith.addi %mul3A_26, %add3A_73 : i32
        %dma_start3A_75 = arith.constant 0 : i32
        %dma_start3A_76 = tpu.memref_slice %arg11[%add3A_74, %dma_start3A_75] : memref<40x128xi32, #tpu.memory_space<vmem>> -> memref<1x128xi32, #tpu.memory_space<vmem>>
        %dma_start3A_77 = tpu.memref_squeeze %dma_start3A_76 : memref<1x128xi32, #tpu.memory_space<vmem>> -> memref<128xi32, #tpu.memory_space<vmem>>
        %dma_start3A_78 = arith.constant 0 : i32
        %dma_start3A_79 = arith.constant 0 : i32
        %dma_start3A_80 = tpu.memref_slice %arg9[%dma_start3A_78, %dma_start3A_79] : memref<10240x128xf32, #tpu.memory_space<vmem_shared>> -> memref<10240x128xf32, #tpu.memory_space<vmem_shared>>
        tpu.enqueue_indirect_dma source(%arg12 : memref<128x128xf32, #tpu.memory_space<vmem>>) target(%dma_start3A_80 : memref<10240x128xf32, #tpu.memory_space<vmem_shared>>) offsets(%dma_start3A_77 : memref<128xi32, #tpu.memory_space<vmem>>) semaphore(%arg14 : memref<!tpu.dma_semaphore, #tpu.memory_space<semaphore_mem>>) {add = true}
        %add3A_81 = arith.constant 7 : i32
        %add3A_82 = arith.addi %mul3A_26, %add3A_81 : i32
        %dma_start3A_83 = arith.constant 0 : i32
        %dma_start3A_84 = tpu.memref_slice %arg11[%add3A_82, %dma_start3A_83] : memref<40x128xi32, #tpu.memory_space<vmem>> -> memref<1x128xi32, #tpu.memory_space<vmem>>
        %dma_start3A_85 = tpu.memref_squeeze %dma_start3A_84 : memref<1x128xi32, #tpu.memory_space<vmem>> -> memref<128xi32, #tpu.memory_space<vmem>>
        %dma_start3A_86 = arith.constant 0 : i32
        %dma_start3A_87 = arith.constant 0 : i32
        %dma_start3A_88 = tpu.memref_slice %arg9[%dma_start3A_86, %dma_start3A_87] : memref<10240x128xf32, #tpu.memory_space<vmem_shared>> -> memref<10240x128xf32, #tpu.memory_space<vmem_shared>>
        tpu.enqueue_indirect_dma source(%arg12 : memref<128x128xf32, #tpu.memory_space<vmem>>) target(%dma_start3A_88 : memref<10240x128xf32, #tpu.memory_space<vmem_shared>>) offsets(%dma_start3A_85 : memref<128xi32, #tpu.memory_space<vmem>>) semaphore(%arg14 : memref<!tpu.dma_semaphore, #tpu.memory_space<semaphore_mem>>) {add = true}
        %dma_wait3A = arith.constant 0 : i32
        %dma_wait3A_89 = arith.constant 0 : i32
        %dma_wait3A_90 = tpu.memref_slice %arg11[%dma_wait3A, %dma_wait3A_89] : memref<40x128xi32, #tpu.memory_space<vmem>> -> memref<1x128xi32, #tpu.memory_space<vmem>>
        %dma_wait3A_91 = tpu.memref_squeeze %dma_wait3A_90 : memref<1x128xi32, #tpu.memory_space<vmem>> -> memref<128xi32, #tpu.memory_space<vmem>>
        %dma_wait3A_92 = arith.constant 0 : i32
        %dma_wait3A_93 = arith.constant 0 : i32
        %dma_wait3A_94 = tpu.memref_slice %arg9[%dma_wait3A_92, %dma_wait3A_93] : memref<10240x128xf32, #tpu.memory_space<vmem_shared>> -> memref<10240x128xf32, #tpu.memory_space<vmem_shared>>
        tpu.wait_indirect_dma semaphore(%arg14 : memref<!tpu.dma_semaphore, #tpu.memory_space<semaphore_mem>>) src(%arg12 : memref<128x128xf32, #tpu.memory_space<vmem>>) dst(%dma_wait3A_94 : memref<10240x128xf32, #tpu.memory_space<vmem_shared>>)
        %dma_wait3A_95 = arith.constant 0 : i32
        %dma_wait3A_96 = arith.constant 0 : i32
        %dma_wait3A_97 = tpu.memref_slice %arg11[%dma_wait3A_95, %dma_wait3A_96] : memref<40x128xi32, #tpu.memory_space<vmem>> -> memref<1x128xi32, #tpu.memory_space<vmem>>
        %dma_wait3A_98 = tpu.memref_squeeze %dma_wait3A_97 : memref<1x128xi32, #tpu.memory_space<vmem>> -> memref<128xi32, #tpu.memory_space<vmem>>
        %dma_wait3A_99 = arith.constant 0 : i32
        %dma_wait3A_100 = arith.constant 0 : i32
        %dma_wait3A_101 = tpu.memref_slice %arg9[%dma_wait3A_99, %dma_wait3A_100] : memref<10240x128xf32, #tpu.memory_space<vmem_shared>> -> memref<10240x128xf32, #tpu.memory_space<vmem_shared>>
        tpu.wait_indirect_dma semaphore(%arg14 : memref<!tpu.dma_semaphore, #tpu.memory_space<semaphore_mem>>) src(%arg12 : memref<128x128xf32, #tpu.memory_space<vmem>>) dst(%dma_wait3A_101 : memref<10240x128xf32, #tpu.memory_space<vmem_shared>>)
        %dma_wait3A_102 = arith.constant 0 : i32
        %dma_wait3A_103 = arith.constant 0 : i32
        %dma_wait3A_104 = tpu.memref_slice %arg11[%dma_wait3A_102, %dma_wait3A_103] : memref<40x128xi32, #tpu.memory_space<vmem>> -> memref<1x128xi32, #tpu.memory_space<vmem>>
        %dma_wait3A_105 = tpu.memref_squeeze %dma_wait3A_104 : memref<1x128xi32, #tpu.memory_space<vmem>> -> memref<128xi32, #tpu.memory_space<vmem>>
        %dma_wait3A_106 = arith.constant 0 : i32
        %dma_wait3A_107 = arith.constant 0 : i32
        %dma_wait3A_108 = tpu.memref_slice %arg9[%dma_wait3A_106, %dma_wait3A_107] : memref<10240x128xf32, #tpu.memory_space<vmem_shared>> -> memref<10240x128xf32, #tpu.memory_space<vmem_shared>>
        tpu.wait_indirect_dma semaphore(%arg14 : memref<!tpu.dma_semaphore, #tpu.memory_space<semaphore_mem>>) src(%arg12 : memref<128x128xf32, #tpu.memory_space<vmem>>) dst(%dma_wait3A_108 : memref<10240x128xf32, #tpu.memory_space<vmem_shared>>)
        %dma_wait3A_109 = arith.constant 0 : i32
        %dma_wait3A_110 = arith.constant 0 : i32
        %dma_wait3A_111 = tpu.memref_slice %arg11[%dma_wait3A_109, %dma_wait3A_110] : memref<40x128xi32, #tpu.memory_space<vmem>> -> memref<1x128xi32, #tpu.memory_space<vmem>>
        %dma_wait3A_112 = tpu.memref_squeeze %dma_wait3A_111 : memref<1x128xi32, #tpu.memory_space<vmem>> -> memref<128xi32, #tpu.memory_space<vmem>>
        %dma_wait3A_113 = arith.constant 0 : i32
        %dma_wait3A_114 = arith.constant 0 : i32
        %dma_wait3A_115 = tpu.memref_slice %arg9[%dma_wait3A_113, %dma_wait3A_114] : memref<10240x128xf32, #tpu.memory_space<vmem_shared>> -> memref<10240x128xf32, #tpu.memory_space<vmem_shared>>
        tpu.wait_indirect_dma semaphore(%arg14 : memref<!tpu.dma_semaphore, #tpu.memory_space<semaphore_mem>>) src(%arg12 : memref<128x128xf32, #tpu.memory_space<vmem>>) dst(%dma_wait3A_115 : memref<10240x128xf32, #tpu.memory_space<vmem_shared>>)
        %dma_wait3A_116 = arith.constant 0 : i32
        %dma_wait3A_117 = arith.constant 0 : i32
        %dma_wait3A_118 = tpu.memref_slice %arg11[%dma_wait3A_116, %dma_wait3A_117] : memref<40x128xi32, #tpu.memory_space<vmem>> -> memref<1x128xi32, #tpu.memory_space<vmem>>
        %dma_wait3A_119 = tpu.memref_squeeze %dma_wait3A_118 : memref<1x128xi32, #tpu.memory_space<vmem>> -> memref<128xi32, #tpu.memory_space<vmem>>
        %dma_wait3A_120 = arith.constant 0 : i32
        %dma_wait3A_121 = arith.constant 0 : i32
        %dma_wait3A_122 = tpu.memref_slice %arg9[%dma_wait3A_120, %dma_wait3A_121] : memref<10240x128xf32, #tpu.memory_space<vmem_shared>> -> memref<10240x128xf32, #tpu.memory_space<vmem_shared>>
        tpu.wait_indirect_dma semaphore(%arg14 : memref<!tpu.dma_semaphore, #tpu.memory_space<semaphore_mem>>) src(%arg12 : memref<128x128xf32, #tpu.memory_space<vmem>>) dst(%dma_wait3A_122 : memref<10240x128xf32, #tpu.memory_space<vmem_shared>>)
        %dma_wait3A_123 = arith.constant 0 : i32
        %dma_wait3A_124 = arith.constant 0 : i32
        %dma_wait3A_125 = tpu.memref_slice %arg11[%dma_wait3A_123, %dma_wait3A_124] : memref<40x128xi32, #tpu.memory_space<vmem>> -> memref<1x128xi32, #tpu.memory_space<vmem>>
        %dma_wait3A_126 = tpu.memref_squeeze %dma_wait3A_125 : memref<1x128xi32, #tpu.memory_space<vmem>> -> memref<128xi32, #tpu.memory_space<vmem>>
        %dma_wait3A_127 = arith.constant 0 : i32
        %dma_wait3A_128 = arith.constant 0 : i32
        %dma_wait3A_129 = tpu.memref_slice %arg9[%dma_wait3A_127, %dma_wait3A_128] : memref<10240x128xf32, #tpu.memory_space<vmem_shared>> -> memref<10240x128xf32, #tpu.memory_space<vmem_shared>>
        tpu.wait_indirect_dma semaphore(%arg14 : memref<!tpu.dma_semaphore, #tpu.memory_space<semaphore_mem>>) src(%arg12 : memref<128x128xf32, #tpu.memory_space<vmem>>) dst(%dma_wait3A_129 : memref<10240x128xf32, #tpu.memory_space<vmem_shared>>)
        %dma_wait3A_130 = arith.constant 0 : i32
        %dma_wait3A_131 = arith.constant 0 : i32
        %dma_wait3A_132 = tpu.memref_slice %arg11[%dma_wait3A_130, %dma_wait3A_131] : memref<40x128xi32, #tpu.memory_space<vmem>> -> memref<1x128xi32, #tpu.memory_space<vmem>>
        %dma_wait3A_133 = tpu.memref_squeeze %dma_wait3A_132 : memref<1x128xi32, #tpu.memory_space<vmem>> -> memref<128xi32, #tpu.memory_space<vmem>>
        %dma_wait3A_134 = arith.constant 0 : i32
        %dma_wait3A_135 = arith.constant 0 : i32
        %dma_wait3A_136 = tpu.memref_slice %arg9[%dma_wait3A_134, %dma_wait3A_135] : memref<10240x128xf32, #tpu.memory_space<vmem_shared>> -> memref<10240x128xf32, #tpu.memory_space<vmem_shared>>
        tpu.wait_indirect_dma semaphore(%arg14 : memref<!tpu.dma_semaphore, #tpu.memory_space<semaphore_mem>>) src(%arg12 : memref<128x128xf32, #tpu.memory_space<vmem>>) dst(%dma_wait3A_136 : memref<10240x128xf32, #tpu.memory_space<vmem_shared>>)
        %dma_wait3A_137 = arith.constant 0 : i32
        %dma_wait3A_138 = arith.constant 0 : i32
        %dma_wait3A_139 = tpu.memref_slice %arg11[%dma_wait3A_137, %dma_wait3A_138] : memref<40x128xi32, #tpu.memory_space<vmem>> -> memref<1x128xi32, #tpu.memory_space<vmem>>
        %dma_wait3A_140 = tpu.memref_squeeze %dma_wait3A_139 : memref<1x128xi32, #tpu.memory_space<vmem>> -> memref<128xi32, #tpu.memory_space<vmem>>
        %dma_wait3A_141 = arith.constant 0 : i32
        %dma_wait3A_142 = arith.constant 0 : i32
        %dma_wait3A_143 = tpu.memref_slice %arg9[%dma_wait3A_141, %dma_wait3A_142] : memref<10240x128xf32, #tpu.memory_space<vmem_shared>> -> memref<10240x128xf32, #tpu.memory_space<vmem_shared>>
        tpu.wait_indirect_dma semaphore(%arg14 : memref<!tpu.dma_semaphore, #tpu.memory_space<semaphore_mem>>) src(%arg12 : memref<128x128xf32, #tpu.memory_space<vmem>>) dst(%dma_wait3A_143 : memref<10240x128xf32, #tpu.memory_space<vmem_shared>>)
      }
      %scan3A_23 = arith.constant 5 : i32
    }
    %scan3A_13 = arith.constant 2 : i32
    %barrier3A_14 = arith.constant 0 : index
    tpu.barrier barrier_id(%barrier3A_14)
    "tpu.region"() ({
      %run_scoped3A = tpu.sem_alloc : memref<!tpu.dma_semaphore, #tpu.memory_space<semaphore_mem>>
      %dma_start3A = arith.constant 0 : i32
      %dma_start3A_15 = tpu.memref_slice %arg8[%arg0, %mul3A_0, %dma_start3A] : memref<2x10240x128xf32, #tpu.memory_space<hbm>> -> memref<1x640x128xf32, #tpu.memory_space<hbm>>
      %dma_start3A_16 = tpu.memref_squeeze %dma_start3A_15 : memref<1x640x128xf32, #tpu.memory_space<hbm>> -> memref<640x128xf32, #tpu.memory_space<hbm>>
      %dma_start3A_17 = arith.constant 0 : i32
      %dma_start3A_18 = tpu.memref_slice %arg9[%mul3A_0, %dma_start3A_17] : memref<10240x128xf32, #tpu.memory_space<vmem_shared>> -> memref<640x128xf32, #tpu.memory_space<vmem_shared>>
      tpu.enqueue_dma source(%dma_start3A_18 : memref<640x128xf32, #tpu.memory_space<vmem_shared>>) target(%dma_start3A_16 : memref<640x128xf32, #tpu.memory_space<hbm>>) target_semaphore(%run_scoped3A : memref<!tpu.dma_semaphore, #tpu.memory_space<semaphore_mem>>)
      %dma_wait3A = arith.constant 0 : i32
      %dma_wait3A_19 = tpu.memref_slice %arg8[%arg0, %mul3A_0, %dma_wait3A] : memref<2x10240x128xf32, #tpu.memory_space<hbm>> -> memref<1x640x128xf32, #tpu.memory_space<hbm>>
      %dma_wait3A_20 = tpu.memref_squeeze %dma_wait3A_19 : memref<1x640x128xf32, #tpu.memory_space<hbm>> -> memref<640x128xf32, #tpu.memory_space<hbm>>
      %dma_wait3A_21 = arith.constant 0 : i32
      %dma_wait3A_22 = tpu.memref_slice %arg9[%mul3A_0, %dma_wait3A_21] : memref<10240x128xf32, #tpu.memory_space<vmem_shared>> -> memref<640x128xf32, #tpu.memory_space<vmem_shared>>
      tpu.wait_dma2 semaphore(%run_scoped3A : memref<!tpu.dma_semaphore, #tpu.memory_space<semaphore_mem>>) src(%dma_wait3A_22 : memref<640x128xf32, #tpu.memory_space<vmem_shared>>) dst(%dma_wait3A_20 : memref<640x128xf32, #tpu.memory_space<hbm>>)
      tpu.yield
    }) : () -> ()
    return
  }
}

module attributes {stable_mosaic.version = 14 : i64} {
  func.func @_tc_finish_body(%arg0: i32, %arg1: memref<1000x128xf32, #tpu.memory_space<vmem>>, %arg2: memref<2x1000x128xf32, #tpu.memory_space<vmem>>, %arg3: memref<2x1000x1xf32, #tpu.memory_space<vmem>>, %arg4: memref<256x128xf32, #tpu.memory_space<vmem>>, %arg5: memref<256x128xf32, #tpu.memory_space<vmem>>, %arg6: memref<1000x128xf32, #tpu.memory_space<vmem>>, %arg7: memref<1000x128xf32, #tpu.memory_space<vmem>>, %arg8: memref<1000x128xf32, #tpu.memory_space<vmem>>) attributes {dimension_semantics = [#tpu.dimension_semantics<arbitrary>], iteration_bounds = array<i64: 10>, scalar_prefetch = 0 : i64, scratch_operands = 0 : i64, tpu.core_type = #tpu.core_type<tc>, window_params = [{transform_indices = @transform_0, window_bounds = array<i64: 1000, 128>}, {transform_indices = @transform_1, window_bounds = array<i64: 2, 1000, 128>}, {transform_indices = @transform_2, window_bounds = array<i64: 2, 1000, 1>}, {pipeline_mode = #tpu.pipeline_mode<synchronous>, transform_indices = @transform_3, window_bounds = array<i64: 256, 128>}, {pipeline_mode = #tpu.pipeline_mode<synchronous>, transform_indices = @transform_4, window_bounds = array<i64: 256, 128>}, {transform_indices = @transform_5, window_bounds = array<i64: 1000, 128>}, {transform_indices = @transform_6, window_bounds = array<i64: 1000, 128>}, {transform_indices = @transform_7, window_bounds = array<i64: 1000, 128>}]} {
    %get3A = arith.constant 0 : index
    %get3A_0 = arith.constant 0 : index
    %get3A_1 = vector.load %arg1[%get3A, %get3A_0] : memref<1000x128xf32, #tpu.memory_space<vmem>>, vector<1000x128xf32>
    %get3A_2 = arith.constant 0 : index
    %get3A_3 = arith.constant 0 : index
    %get3A_4 = arith.constant 0 : index
    %get3A_5 = vector.load %arg3[%get3A_2, %get3A_3, %get3A_4] : memref<2x1000x1xf32, #tpu.memory_space<vmem>>, vector<1x1000x1xf32>
    %get3A_6 = vector.shape_cast %get3A_5 : vector<1x1000x1xf32> to vector<1000x1xf32>
    %get3A_7 = arith.constant 1 : index
    %get3A_8 = arith.constant 0 : index
    %get3A_9 = arith.constant 0 : index
    %get3A_10 = vector.load %arg3[%get3A_7, %get3A_8, %get3A_9] : memref<2x1000x1xf32, #tpu.memory_space<vmem>>, vector<1x1000x1xf32>
    %get3A_11 = vector.shape_cast %get3A_10 : vector<1x1000x1xf32> to vector<1000x1xf32>
    %add3A = arith.addf %get3A_6, %get3A_11 : vector<1000x1xf32>
    %get3A_12 = arith.constant 0 : index
    %get3A_13 = arith.constant 0 : index
    %get3A_14 = arith.constant 0 : index
    %get3A_15 = vector.load %arg2[%get3A_12, %get3A_13, %get3A_14] : memref<2x1000x128xf32, #tpu.memory_space<vmem>>, vector<1x1000x128xf32>
    %get3A_16 = vector.shape_cast %get3A_15 : vector<1x1000x128xf32> to vector<1000x128xf32>
    %get3A_17 = arith.constant 1 : index
    %get3A_18 = arith.constant 0 : index
    %get3A_19 = arith.constant 0 : index
    %get3A_20 = vector.load %arg2[%get3A_17, %get3A_18, %get3A_19] : memref<2x1000x128xf32, #tpu.memory_space<vmem>>, vector<1x1000x128xf32>
    %get3A_21 = vector.shape_cast %get3A_20 : vector<1x1000x128xf32> to vector<1000x128xf32>
    %add3A_22 = arith.addf %get3A_16, %get3A_21 : vector<1000x128xf32>
    %jit3A = arith.constant 1.000000e+00 : f32
    %max3A = vector.broadcast %jit3A : f32 to vector<1000x1xf32>
    %max3A_23 = arith.maximumf %max3A, %add3A : vector<1000x1xf32>
    %div3A = vector.broadcast %max3A_23 : vector<1000x1xf32> to vector<1000x128xf32>
    %div3A_24 = arith.divf %add3A_22, %div3A : vector<1000x128xf32>
    %get3A_25 = arith.constant 0 : index
    %get3A_26 = arith.constant 0 : index
    %get3A_27 = vector.load %arg4[%get3A_25, %get3A_26] : memref<256x128xf32, #tpu.memory_space<vmem>>, vector<256x128xf32>
    %get3A_28 = arith.constant 0 : index
    %get3A_29 = arith.constant 0 : index
    %get3A_30 = vector.load %arg5[%get3A_28, %get3A_29] : memref<256x128xf32, #tpu.memory_space<vmem>>, vector<256x128xf32>
    %get3A_31 = arith.constant 0 : index
    %get3A_32 = arith.constant 0 : index
    %get3A_33 = vector.load %arg6[%get3A_31, %get3A_32] : memref<1000x128xf32, #tpu.memory_space<vmem>>, vector<1000x128xf32>
    %slice3A = vector.extract_strided_slice %get3A_27 {offsets = [128, 0], sizes = [128, 128], strides = [1, 1]} : vector<256x128xf32> to vector<128x128xf32>
    %dot_general3A = arith.constant dense<0.000000e+00> : vector<1000x128xf32>
    %dot_general3A_34 = tpu.matmul %div3A_24, %slice3A, %dot_general3A {dimension_numbers = #tpu.dot_dimension_numbers<[1], [0], [0], [1], [0, 0, 1, 1], [], []>, transpose_lhs_hint = false} : vector<1000x128xf32>, vector<128x128xf32>, vector<1000x128xf32> -> vector<1000x128xf32>
    %add3A_35 = arith.addf %get3A_33, %dot_general3A_34 : vector<1000x128xf32>
    %tanh3A = math.tanh %add3A_35 : vector<1000x128xf32>
    %get3A_36 = arith.constant 0 : index
    %get3A_37 = arith.constant 0 : index
    %get3A_38 = vector.load %arg7[%get3A_36, %get3A_37] : memref<1000x128xf32, #tpu.memory_space<vmem>>, vector<1000x128xf32>
    %slice3A_39 = vector.extract_strided_slice %get3A_30 {offsets = [128, 0], sizes = [128, 128], strides = [1, 1]} : vector<256x128xf32> to vector<128x128xf32>
    %dot_general3A_40 = arith.constant dense<0.000000e+00> : vector<1000x128xf32>
    %dot_general3A_41 = tpu.matmul %div3A_24, %slice3A_39, %dot_general3A_40 {dimension_numbers = #tpu.dot_dimension_numbers<[1], [0], [0], [1], [0, 0, 1, 1], [], []>, transpose_lhs_hint = false} : vector<1000x128xf32>, vector<128x128xf32>, vector<1000x128xf32> -> vector<1000x128xf32>
    %add3A_42 = arith.addf %get3A_38, %dot_general3A_41 : vector<1000x128xf32>
    %logistic3A = arith.negf %add3A_42 : vector<1000x128xf32>
    %logistic3A_43 = math.exp %logistic3A : vector<1000x128xf32>
    %logistic3A_44 = arith.constant 1.000000e+00 : f32
    %logistic3A_45 = vector.broadcast %logistic3A_44 : f32 to vector<1000x128xf32>
    %logistic3A_46 = arith.addf %logistic3A_45, %logistic3A_43 : vector<1000x128xf32>
    %logistic3A_47 = arith.divf %logistic3A_45, %logistic3A_46 : vector<1000x128xf32>
    %iota3A = tpu.iota {dimensions = array<i32: 0>} : vector<128x128xi32>
    %iota3A_48 = tpu.iota {dimensions = array<i32: 1>} : vector<128x128xi32>
    %le3A = arith.cmpi sle, %iota3A, %iota3A_48 : vector<128x128xi32>
    %jit3A_49 = arith.constant 1.000000e+00 : f32
    %jit3A_50 = arith.constant 0.000000e+00 : f32
    %broadcast_in_dim3A = vector.broadcast %jit3A_49 : f32 to vector<128x128xf32>
    %broadcast_in_dim3A_51 = vector.broadcast %jit3A_50 : f32 to vector<128x128xf32>
    %select_n3A = arith.select %le3A, %broadcast_in_dim3A, %broadcast_in_dim3A_51 : vector<128x128xi1>, vector<128x128xf32>
    %convert_element_type3A = arith.sitofp %iota3A_48 : vector<128x128xi32> to vector<128x128xf32>
    %add3A_52 = arith.constant 1.000000e+00 : f32
    %add3A_53 = vector.broadcast %add3A_52 : f32 to vector<128x128xf32>
    %add3A_54 = arith.addf %convert_element_type3A, %add3A_53 : vector<128x128xf32>
    %div3A_55 = arith.divf %select_n3A, %add3A_54 : vector<128x128xf32>
    %dot_general3A_56 = arith.constant dense<0.000000e+00> : vector<1000x128xf32>
    %dot_general3A_57 = tpu.matmul %logistic3A_47, %div3A_55, %dot_general3A_56 {dimension_numbers = #tpu.dot_dimension_numbers<[1], [0], [0], [1], [0, 0, 1, 1], [], []>, transpose_lhs_hint = false} : vector<1000x128xf32>, vector<128x128xf32>, vector<1000x128xf32> -> vector<1000x128xf32>
    %mul3A = arith.mulf %dot_general3A_57, %get3A_1 : vector<1000x128xf32>
    %sub3A = arith.constant 1.000000e+00 : f32
    %sub3A_58 = vector.broadcast %sub3A : f32 to vector<1000x128xf32>
    %sub3A_59 = arith.subf %sub3A_58, %dot_general3A_57 : vector<1000x128xf32>
    %mul3A_60 = arith.mulf %sub3A_59, %tanh3A : vector<1000x128xf32>
    %add3A_61 = arith.addf %mul3A, %mul3A_60 : vector<1000x128xf32>
    %swap3A = arith.constant 0 : index
    %swap3A_62 = arith.constant 0 : index
    %swap3A_63 = vector.load %arg8[%swap3A, %swap3A_62] : memref<1000x128xf32, #tpu.memory_space<vmem>>, vector<1000x128xf32>
    tpu.vector_store %arg8[%swap3A, %swap3A_62], %add3A_61 {strides = array<i32>} : memref<1000x128xf32, #tpu.memory_space<vmem>>, vector<1000x128xf32>,
    return
  }
  func.func @transform_0(%arg0: i32) -> (i32, i32) {
    %c0_i32 = arith.constant 0 : i32
    %c0_i32_0 = arith.constant 0 : i32
    return %arg0, %c0_i32 : i32, i32
  }
  func.func @transform_1(%arg0: i32) -> (i32, i32, i32) {
    %c0_i32 = arith.constant 0 : i32
    %c0_i32_0 = arith.constant 0 : i32
    %c0_i32_1 = arith.constant 0 : i32
    return %c0_i32, %arg0, %c0_i32_0 : i32, i32, i32
  }
  func.func @transform_2(%arg0: i32) -> (i32, i32, i32) {
    %c0_i32 = arith.constant 0 : i32
    %c0_i32_0 = arith.constant 0 : i32
    %c0_i32_1 = arith.constant 0 : i32
    return %c0_i32, %arg0, %c0_i32_0 : i32, i32, i32
  }
  func.func @transform_3(%arg0: i32) -> (i32, i32) {
    %c0_i32 = arith.constant 0 : i32
    %c0_i32_0 = arith.constant 0 : i32
    %c0_i32_1 = arith.constant 0 : i32
    return %c0_i32, %c0_i32_0 : i32, i32
  }
  func.func @transform_4(%arg0: i32) -> (i32, i32) {
    %c0_i32 = arith.constant 0 : i32
    %c0_i32_0 = arith.constant 0 : i32
    %c0_i32_1 = arith.constant 0 : i32
    return %c0_i32, %c0_i32_0 : i32, i32
  }
  func.func @transform_5(%arg0: i32) -> (i32, i32) {
    %c0_i32 = arith.constant 0 : i32
    %c0_i32_0 = arith.constant 0 : i32
    return %arg0, %c0_i32 : i32, i32
  }
  func.func @transform_6(%arg0: i32) -> (i32, i32) {
    %c0_i32 = arith.constant 0 : i32
    %c0_i32_0 = arith.constant 0 : i32
    return %arg0, %c0_i32 : i32, i32
  }
  func.func @transform_7(%arg0: i32) -> (i32, i32) {
    %c0_i32 = arith.constant 0 : i32
    %c0_i32_0 = arith.constant 0 : i32
    return %arg0, %c0_i32 : i32, i32
  }
}

module attributes {stable_mosaic.version = 14 : i64} {
  func.func @_tc_pre_body(%arg0: i32, %arg1: memref<1000x128xf32, #tpu.memory_space<vmem>>, %arg2: memref<256x128xf32, #tpu.memory_space<vmem>>, %arg3: memref<256x128xf32, #tpu.memory_space<vmem>>, %arg4: memref<1x128xf32, #tpu.memory_space<vmem>>, %arg5: memref<1x128xf32, #tpu.memory_space<vmem>>, %arg6: memref<1000x128xf32, #tpu.memory_space<vmem>>, %arg7: memref<1000x128xf32, #tpu.memory_space<vmem>>) attributes {dimension_semantics = [#tpu.dimension_semantics<arbitrary>], iteration_bounds = array<i64: 10>, scalar_prefetch = 0 : i64, scratch_operands = 0 : i64, tpu.core_type = #tpu.core_type<tc>, window_params = [{transform_indices = @transform_0, window_bounds = array<i64: 1000, 128>}, {pipeline_mode = #tpu.pipeline_mode<synchronous>, transform_indices = @transform_1, window_bounds = array<i64: 256, 128>}, {pipeline_mode = #tpu.pipeline_mode<synchronous>, transform_indices = @transform_2, window_bounds = array<i64: 256, 128>}, {pipeline_mode = #tpu.pipeline_mode<synchronous>, transform_indices = @transform_3, window_bounds = array<i64: 1, 128>}, {pipeline_mode = #tpu.pipeline_mode<synchronous>, transform_indices = @transform_4, window_bounds = array<i64: 1, 128>}, {transform_indices = @transform_5, window_bounds = array<i64: 1000, 128>}, {transform_indices = @transform_6, window_bounds = array<i64: 1000, 128>}]} {
    %get3A = arith.constant 0 : index
    %get3A_0 = arith.constant 0 : index
    %get3A_1 = vector.load %arg1[%get3A, %get3A_0] : memref<1000x128xf32, #tpu.memory_space<vmem>>, vector<1000x128xf32>
    %get3A_2 = arith.constant 0 : index
    %get3A_3 = arith.constant 0 : index
    %get3A_4 = vector.load %arg2[%get3A_2, %get3A_3] : memref<256x128xf32, #tpu.memory_space<vmem>>, vector<256x128xf32>
    %slice3A = vector.extract_strided_slice %get3A_4 {offsets = [0, 0], sizes = [128, 128], strides = [1, 1]} : vector<256x128xf32> to vector<128x128xf32>
    %dot_general3A = arith.constant dense<0.000000e+00> : vector<1000x128xf32>
    %dot_general3A_5 = tpu.matmul %get3A_1, %slice3A, %dot_general3A {dimension_numbers = #tpu.dot_dimension_numbers<[1], [0], [0], [1], [0, 0, 1, 1], [], []>, transpose_lhs_hint = false} : vector<1000x128xf32>, vector<128x128xf32>, vector<1000x128xf32> -> vector<1000x128xf32>
    %get3A_6 = arith.constant 0 : index
    %get3A_7 = arith.constant 0 : index
    %get3A_8 = vector.load %arg4[%get3A_6, %get3A_7] : memref<1x128xf32, #tpu.memory_space<vmem>>, vector<1x128xf32>
    %add3A = vector.broadcast %get3A_8 : vector<1x128xf32> to vector<1000x128xf32>
    %add3A_9 = arith.addf %dot_general3A_5, %add3A : vector<1000x128xf32>
    %swap3A = arith.constant 0 : index
    %swap3A_10 = arith.constant 0 : index
    %swap3A_11 = vector.load %arg6[%swap3A, %swap3A_10] : memref<1000x128xf32, #tpu.memory_space<vmem>>, vector<1000x128xf32>
    tpu.vector_store %arg6[%swap3A, %swap3A_10], %add3A_9 {strides = array<i32>} : memref<1000x128xf32, #tpu.memory_space<vmem>>, vector<1000x128xf32>,
    %get3A_12 = arith.constant 0 : index
    %get3A_13 = arith.constant 0 : index
    %get3A_14 = vector.load %arg3[%get3A_12, %get3A_13] : memref<256x128xf32, #tpu.memory_space<vmem>>, vector<256x128xf32>
    %slice3A_15 = vector.extract_strided_slice %get3A_14 {offsets = [0, 0], sizes = [128, 128], strides = [1, 1]} : vector<256x128xf32> to vector<128x128xf32>
    %dot_general3A_16 = arith.constant dense<0.000000e+00> : vector<1000x128xf32>
    %dot_general3A_17 = tpu.matmul %get3A_1, %slice3A_15, %dot_general3A_16 {dimension_numbers = #tpu.dot_dimension_numbers<[1], [0], [0], [1], [0, 0, 1, 1], [], []>, transpose_lhs_hint = false} : vector<1000x128xf32>, vector<128x128xf32>, vector<1000x128xf32> -> vector<1000x128xf32>
    %get3A_18 = arith.constant 0 : index
    %get3A_19 = arith.constant 0 : index
    %get3A_20 = vector.load %arg5[%get3A_18, %get3A_19] : memref<1x128xf32, #tpu.memory_space<vmem>>, vector<1x128xf32>
    %add3A_21 = vector.broadcast %get3A_20 : vector<1x128xf32> to vector<1000x128xf32>
    %add3A_22 = arith.addf %dot_general3A_17, %add3A_21 : vector<1000x128xf32>
    %swap3A_23 = arith.constant 0 : index
    %swap3A_24 = arith.constant 0 : index
    %swap3A_25 = vector.load %arg7[%swap3A_23, %swap3A_24] : memref<1000x128xf32, #tpu.memory_space<vmem>>, vector<1000x128xf32>
    tpu.vector_store %arg7[%swap3A_23, %swap3A_24], %add3A_22 {strides = array<i32>} : memref<1000x128xf32, #tpu.memory_space<vmem>>, vector<1000x128xf32>,
    return
  }
  func.func @transform_0(%arg0: i32) -> (i32, i32) {
    %c0_i32 = arith.constant 0 : i32
    %c0_i32_0 = arith.constant 0 : i32
    return %arg0, %c0_i32 : i32, i32
  }
  func.func @transform_1(%arg0: i32) -> (i32, i32) {
    %c0_i32 = arith.constant 0 : i32
    %c0_i32_0 = arith.constant 0 : i32
    %c0_i32_1 = arith.constant 0 : i32
    return %c0_i32, %c0_i32_0 : i32, i32
  }
  func.func @transform_2(%arg0: i32) -> (i32, i32) {
    %c0_i32 = arith.constant 0 : i32
    %c0_i32_0 = arith.constant 0 : i32
    %c0_i32_1 = arith.constant 0 : i32
    return %c0_i32, %c0_i32_0 : i32, i32
  }
  func.func @transform_3(%arg0: i32) -> (i32, i32) {
    %c0_i32 = arith.constant 0 : i32
    %c0_i32_0 = arith.constant 0 : i32
    %c0_i32_1 = arith.constant 0 : i32
    return %c0_i32, %c0_i32_0 : i32, i32
  }
  func.func @transform_4(%arg0: i32) -> (i32, i32) {
    %c0_i32 = arith.constant 0 : i32
    %c0_i32_0 = arith.constant 0 : i32
    %c0_i32_1 = arith.constant 0 : i32
    return %c0_i32, %c0_i32_0 : i32, i32
  }
  func.func @transform_5(%arg0: i32) -> (i32, i32) {
    %c0_i32 = arith.constant 0 : i32
    %c0_i32_0 = arith.constant 0 : i32
    return %arg0, %c0_i32 : i32, i32
  }
  func.func @transform_6(%arg0: i32) -> (i32, i32) {
    %c0_i32 = arith.constant 0 : i32
    %c0_i32_0 = arith.constant 0 : i32
    return %arg0, %c0_i32 : i32, i32
  }
}

</mosaic_0001>

<sc_bundles>
// kernel: kernel.5.cloned.1.call-start
scs
__scs_entry_jumppad:
0x0: {  	(pc) =	sbr.rel $0x88, $3  }
0x1: {  	(tag) =	ssettag $0x0;
	lr =	simm.s32 $0x1  }
0x2: {  	[smem:$0x3F9B] =	sst lr;
	_ =	strace $0xD0000000  }
0x3: {  	_ = 	snop  }
0x4: {  	_ = 	snop  }
0x5: {  	_ = 	snop  }
0x6: {  	_ = 	snop  }
0x7: {  	_ = 	snop  }
__scs_overlays_trampoline_lowered:
0x8: {  	[smem:$0x3FAA] =	sst s0  }
0x9: {  	[smem:$0x3FAB] =	sst s1  }
0xa: {  	[smem:$0x3FAC] =	sst s2  }
0xb: {  	[smem:$0x3FAD] =	sst s3  }
0xc: {  	[smem:$0x3FAE] =	sst s4  }
0xd: {  	[smem:$0x3FAF] =	sst s5  }
0xe: {  	[smem:$0x3FB0] =	sst s6  }
0xf: {  	[smem:$0x3FB1] =	sst s7  }
0x10: {  	[smem:$0x3FB2] =	sst s8  }
0x11: {  	[smem:$0x3FB3] =	sst s9;
	s0 =	simm.s32 @!p0 $0x0  }
0x12: {  	s1 =	sld [smem:$0x3F99];
	s0 =	simm.s32 @p0 $0x1  }
0x13: {  	[smem:$0x3FB4] =	sst s0;
	s0 =	simm.s32 @!p1 $0x0  }
0x14: {  	s2 =	sld [smem:$0x3F98];
	s0 =	simm.s32 @p1 $0x1  }
0x15: {  	[smem:$0x3FB5] =	sst s0;
	s0 =	simm.s32 @!p2 $0x0  }
0x16: {  	s3 =	sld [smem:$0x3FDB];
	s0 =	simm.s32 @p2 $0x1  }
0x17: {  	s4 =	simm.s32 $0x1BF5;
	[smem:$0x3FB7] =	sst s0  }
0x18: {  	s0 =	sld [smem:$0x3F9A];
	_ =	swait.ge [sflag:s4], $0x0  }
0x19: {  	s7 =	sld [smem:$0x3F9B]  }
0x1a: {  	s8 =	sadd.s32 $0xFFFFE003, lr  }
0x1b: {  	s9 =	sadd.s32 $0xFFFFFEF7, lr;
	s5 =	simm.s32 $0xFFFFFFFF;
	p2 =	slt.u32 s8, $0xFFFFF086  }
0x1c: {  	p1 =	slt.u32 s9, $0xF7A;
	s5 =	simm.s32 @!p2 $0x0  }
0x1d: {  	s5 =	simm.s32 @p1 $0x1;
	p0 =	seq.s32 s7, s2  }
0x1e: {  	s7 =	smul.u32 @!p0 $0xF7A, s2;
	p2 =	seq.s32 @!p0 s5, $0x0  }
0x1f: {  	s9 =	smul.u32 $0xF7A, s1;
	s8 =	simm.s32 @!p0 $0x1BF5;
	p2 =	por !p2, p0  }
0x20: {  	[sflag:s8] =	ssyncset.s32 @!p0 $0xFFFFF086;
	s6 =	sadd.s32 @!p0 s3, s7;
	s7 =	simm.s32 @!p0 $0x108  }
0x21: {  	s3 =	sadd.s32 s3, s9;
	s6 =	sadd.s32 @!p0 $0x88, s6;
	s7 =	simm.s32 @p2 $0x1082  }
0x22: {  	[simem:s7], [sflag:s8] =	dma.local @!p0 [hbm:s6], $0xF7A  }
0x23: {  	s9 =	sor.u32 $0xD0000000, s2;
	s6 =	simm.s32 $0x108;
	_ =	swait.ge @!p0 [sflag:s8], $0x0  }
0x24: {  	s3 =	sadd.s32 $0x88, s3;
	s6 =	simm.s32 @!p1 $0x1082;
	[sflag:s4] =	ssyncset.s32 $0xFFFFF086  }
0x25: {  	[simem:s6], [sflag:s4] =	dma.local [hbm:s3], $0xF7A  }
0x26: {  	[smem:$0x3F9B] =	sst s1;
	(tag) =	ssettag s2;
	_ =	strace s9  }
0x27: {  	s1 =	sld [smem:$0x3FAB]  }
0x28: {  	s2 =	sld [smem:$0x3FAC]  }
0x29: {  	s4 =	sld [smem:$0x3FAE]  }
0x2a: {  	p0 =	seq.s32 s5, $0x0;
	s5 =	sld [smem:$0x3FAF]  }
0x2b: {  	s6 =	sld [smem:$0x3FB0]  }
0x2c: {  	s7 =	sld [smem:$0x3FB1]  }
0x2d: {  	s3 =	simm.s32 $0x108;
	s8 =	sld [smem:$0x3FB2]  }
0x2e: {  	s3 =	simm.s32 @!p0 $0x1082;
	s9 =	sld [smem:$0x3FB3]  }
0x2f: {  	lr =	sadd.s32 s0, s3;
	s0 =	sld [smem:$0x3FAA]  }
0x30: {  	s3 =	sld [smem:$0x3FAD]  }
0x31: {  	[smem:$0x3FB6] =	sst s10  }
0x32: {  	s10 =	sld [smem:$0x3FB4];
	_ =	sdelay $0x3  }
0x33: {  	p0 =	seq.s32 s10, $0x1;
	s10 =	sld [smem:$0x3FB6];
	_ =	sdelay $0x3  }
0x34: {  	[smem:$0x3FB6] =	sst s10  }
0x35: {  	s10 =	sld [smem:$0x3FB5];
	_ =	sdelay $0x3  }
0x36: {  	p1 =	seq.s32 s10, $0x1;
	s10 =	sld [smem:$0x3FB6];
	_ =	sdelay $0x3  }
0x37: {  	[smem:$0x3FB6] =	sst s10  }
0x38: {  	s10 =	sld [smem:$0x3FB7]  }
0x39: {  	_ = 	snop;
	(pc) =	sbr.ind lr, $3  }
0x3a: {  	_ = 	snop  }
0x3b: {  	_ = 	snop  }
0x3c: {  	p2 =	seq.s32 s10, $0x1;
	s10 =	sld [smem:$0x3FB6]  }
0x3d: {  	_ =	shalt  }
0x3e: {  	_ =	shalt  }
0x3f: {  	_ =	shalt  }
0x40: {  	_ =	shalt  }
0x41: {  	_ =	shalt  }
0x42: {  	_ =	shalt  }
0x43: {  	_ =	shalt  }
0x44: {  	_ =	shalt  }
0x45: {  	_ =	shalt  }
0x46: {  	_ =	shalt  }
0x47: {  	_ =	shalt  }
0x48: {  	_ =	shalt  }
0x49: {  	_ =	shalt  }
0x4a: {  	_ =	shalt  }
0x4b: {  	_ =	shalt  }
0x4c: {  	_ =	shalt  }
0x4d: {  	_ =	shalt  }
0x4e: {  	_ =	shalt  }
0x4f: {  	_ =	shalt  }
0x50: {  	_ =	shalt  }
0x51: {  	_ =	shalt  }
0x52: {  	_ =	shalt  }
0x53: {  	_ =	shalt  }
0x54: {  	_ =	shalt  }
0x55: {  	_ =	shalt  }
0x56: {  	_ =	shalt  }
0x57: {  	_ =	shalt  }
0x58: {  	_ =	shalt  }
0x59: {  	_ =	shalt  }
0x5a: {  	_ =	shalt  }
0x5b: {  	_ =	shalt  }
0x5c: {  	_ =	shalt  }
0x5d: {  	_ =	shalt  }
0x5e: {  	_ =	shalt  }
0x5f: {  	_ =	shalt  }
0x60: {  	_ =	shalt  }
0x61: {  	_ =	shalt  }
0x62: {  	_ =	shalt  }
0x63: {  	_ =	shalt  }
0x64: {  	_ =	shalt  }
0x65: {  	_ =	shalt  }
0x66: {  	_ =	shalt  }
0x67: {  	_ =	shalt  }
0x68: {  	_ =	shalt  }
0x69: {  	_ =	shalt  }
0x6a: {  	_ =	shalt  }
0x6b: {  	_ =	shalt  }
0x6c: {  	_ =	shalt  }
0x6d: {  	_ =	shalt  }
0x6e: {  	_ =	shalt  }
0x6f: {  	_ =	shalt  }
0x70: {  	_ =	shalt  }
0x71: {  	_ =	shalt  }
0x72: {  	_ =	shalt  }
0x73: {  	_ =	shalt  }
0x74: {  	_ =	shalt  }
0x75: {  	_ =	shalt  }
0x76: {  	_ =	shalt  }
0x77: {  	_ =	shalt  }
0x78: {  	_ =	shalt  }
0x79: {  	_ =	shalt  }
0x7a: {  	_ =	shalt  }
0x7b: {  	_ =	shalt  }
0x7c: {  	_ =	shalt  }
0x7d: {  	_ =	shalt  }
0x7e: {  	_ =	shalt  }
0x7f: {  	_ =	shalt  }
0x80: {  	_ =	shalt  }
0x81: {  	_ =	shalt  }
0x82: {  	_ =	shalt  }
0x83: {  	_ =	shalt  }
0x84: {  	_ =	shalt  }
0x85: {  	_ =	shalt  }
0x86: {  	_ =	shalt  }
0x87: {  	_ =	shalt  }
.Lfunc_end0:
.L_simem_size_0:
called_computation_lowered:
.L_overlay_start_0:
0x88: {  	s2 =	sld [smem:$0x3FD9]  }
0x89: {  	s3 =	sld [smem:$0x3FFE];
	_ =	sdelay $0x1  }
0x8a: {  	s1 =	srdreg.scid  }
0x8b: {  	s0 =	sand.u32 $0x1, s1  }
0x8c: {  	s17 =	sshll.u32 s0, $0xA;
	s2 =	sadd.s32 s3, s2  }
0x8d: {  	s2 =	sadd.s32 s2, s17  }
0x8e: {  	[smem:$0x3FC2] =	sst s2  }
0x8f: {  	_ = 	snop  }
0x90: {  	s2 =	sld [smem:$0x3FC9]  }
0x91: {  	s18 =	sld [smem:$0x3FD0];
	(tm) =	ssettm $0x1  }
0x92: {  	s4 =	sld [smem:$0x3FFB];
	_ =	sdelay $0x3  }
0x93: {  	_ =	strace s4  }
0x94: {  	s4 =	sld [smem:$0x3FFC];
	_ =	sdelay $0x3  }
0x95: {  	_ =	strace s4  }
0x96: {  	s4 =	sld [smem:$0x3FFD];
	_ =	sdelay $0x3  }
0x97: {  	_ =	strace s4  }
0x98: {  	_ =	strace $0x8FFFFFFF  }
0x99: {  	s19 =	sld [smem:$0x3FDB];
	_ =	sdelay $0x1  }
0x9a: {  	s5 =	simm.s32 $_scs_section_size  }
0x9b: {  	s6 =	simm.s32 $_size__tile_overlayer_lowered;
	s7 =	simm.s32 $_tile_overlayer_lowered  }
0x9c: {  	s22 =	simm.s32 $0x1BFF;
	s21 =	sshll.u32 s7, $0x1;
	s4 =	sadd.s32 s5, s19  }
0x9d: {  	s8 =	simm.s32 $0x0;
	s20 =	sshll.u32 s6, $0x1;
	s6 =	sadd.s32 s21, s4  }
0x9e: {  	[timem:s8], [sflag:s22] =	dma.local [hbm:s6], s20  }
0x9f: {  	_ =	swait.ge [sflag:s22], s20  }
0xa0: {  	s5 =	ssub.s32 $0x0, s20;
	[sflag:s22] =	ssyncset.done $0x0  }
0xa1: {  	[sflag:s22] =	ssyncadd.s32 s5;
	_ =	sdelay $0x1  }
0xa2: {  	s23 =	simm.s32 $0x1B8B  }
0xa3: {  	_ =	swait.ge [sflag:s23], $0x1  }
0xa4: {  	[sflag:s23] =	ssyncset.done $0x0  }
0xa5: {  	s25 =	simm.s32 $0x1B8E;
	s24 =	sld [smem:$0x3FFE];
	[sflag:s23] =	ssyncadd.s32 $0xFFFFFFFF  }
0xa6: {  	s26 =	simm.s32 $execute0_lowered;
	[smem:$0x3FD2] =	sst s25  }
0xa7: {  	s6 =	sshll.u32 s26, $0x1;
	_ =	strace $0x80000046;
	[dreg:$0x1] =	wrdreg $0xFFFFFFFF  }
0xa8: {  	s28 =	simm.s32 $_size_execute0_lowered;
	s4 =	sadd.s32 s4, s6;
	[dreg:$0x0] =	wrdreg $0x0  }
0xa9: {  	s6 =	sshll.u32 s28, $0x1;
	[dreg:$0x2] =	wrdreg s4  }
0xaa: {  	[dreg:$0x3] =	wrdreg s6  }
0xab: {  	[dreg:$0x4] =	wrdreg $0xC0  }
0xac: {  	_ =	task [dreg:s8], $0x5FFFF  }
0xad: {  	[dreg:$0x1] =	wrdreg $0xFFFFFFFF  }
0xae: {  	[dreg:$0x0] =	wrdreg $0x60  }
0xaf: {  	[dreg:$0x2] =	wrdreg s2  }
0xb0: {  	[dreg:$0x3] =	wrdreg s18  }
0xb1: {  	[dreg:$0x4] =	wrdreg s24  }
0xb2: {  	[dreg:$0x5] =	wrdreg $0x0  }
0xb3: {  	[dreg:$0x6] =	wrdreg $0x9  }
0xb4: {  	_ =	task.clear_ibuf [dreg:s8], $0x7FFFF;
	_ =	strace $0x90000046  }
0xb5: {  	s29 =	simm.s32 $0x9;
	_ =	strace $0x80000048  }
0xb6: {  	_ =	swait.ge [sflag:s29], $0x1  }
0xb7: {  	[sflag:s29] =	ssyncadd.s32 $0xFFFFFFFF  }
0xb8: {  	_ =	strace $0x90000048  }
0xb9: {  	_ =	sfence  }
0xba: {  	s30 =	sld [smem:$0x0];
	_ =	sdelay $0x2  }
0xbb: {  	s31 =	sshll.u32 s1, $0xD;
	s1 =	sshrl.u32 s1, $0x2  }
0xbc: {  	s3 =	sand.u32 $0x4000, s31;
	s1 =	sadd.s32 s1, s30  }
0xbd: {  	s0 =	sor.u32 s3, s0;
	s1 =	sshll.u32 s1, $0x11  }
0xbe: {  	s0 =	sor.u32 s1, s0  }
0xbf: {  	s0 =	sadd.s32 $0x8F2B, s0  }
0xc0: {  	[sflag:s0] =	ssyncadd.remote.s32 $0x1  }
0xc1: {  	_ =	sfence.sel $0xFFFF  }
0xc2: {  	[dreg:$0x0] =	wrdreg $0xFFFFFFFF;
	(pc) =	sbr.abs _section_cstart, $3  }
0xc3: {  	[dreg:$0x1] =	wrdreg $0xFFFFFFFF  }
0xc4: {  	_ =	task.clear_ibuf [dreg:s8], $0x2FFFF;
	_ =	strace $0x9FFFFFFF  }
0xc5: {  	(tm) =	ssettm $0x7FFFFFFF  }
tec
execute0_lowered:
.L_overlay_start_1:
0x0: {  	(tag) =	ssettag $0x1  }
0x1: {  	s1 =	rddreg [dreg:$0x0]  }
0x2: {  	s0 =	rddreg [dreg:$0x1]  }
0x3: {  	s3 =	rddreg [dreg:$0x2]  }
0x4: {  	s2 =	rddreg [dreg:$0x3]  }
0x5: {  	s31 =	simm.s32 $0x0;
	s4 =	srdreg.scid;
	s11 =	stileid.u32  }
0x6: {  	s12 =	simm.s32 $0x16780;
	s13 =	simm.s32 $0x16000;
	s28 =	simm.s32 $0x16080  }
0x7: {  	s29 =	simm.s32 $0x16100;
	s30 =	simm.s32 $0x16500;
	[smem:$0x7FF] =	sst s31  }
0x8: {  	s4 =	sand.u32 $0x1, s4;
	s5 =	sadd.s32 $0x1200, s3;
	s7 =	smul.u32 $0x14000, s11  }
0x9: {  	s8 =	sadd.s32 $0xBA00, s3;
	s14 =	sadd.s32 $0xB200, s3;
	s15 =	smul.u32 $0x50000, s11  }
0xa: {  	s10 =	smul.u32 $0x2800, s11;
	s19 =	sshll.u32 s11, $0x6;
	s11 =	simm.s32 $0x16700  }
0xb: {  	s6 =	smul.u32 $0x140000, s4;
	_ =	strace $0x80000047;
	[dreg:$0x5] =	wrdreg s8  }
0xc: {  	[dreg:$0x6] =	wrdreg s14;
	s16 =	ssub.s32 $0x2, s4;
	s4 =	smul.u32 $0x28000, s4  }
0xd: {  	s14 =	simm.s32 $0x15E00;
	s9 =	sshrl.u32 s16, $0x1;
	s18 =	sshrl.u32 s15, $0x2  }
0xe: {  	s15 =	simm.s32 $0x15F80;
	s6 =	sadd.s32 s7, s6;
	s17 =	ssub.s32 s16, s9  }
0xf: {  	s7 =	sadd.s32 s18, s2;
	s20 =	sadd.s32 s10, s4;
	s9 =	sor.u32 $0x1C03, s19  }
0x10: {  	s18 =	simm.s32 $0x3;
	s16 =	simm.s32 $0x16180;
	s19 =	simm.s32 $0x16300  }
0x11: {  	s22 =	sshrl.u32 s20, $0x3;
	s23 =	smax.u32 s17, $0x1;
	[dreg:$0x7] =	wrdreg s9  }
0x12: {  	s6 =	sshrl.u32 s6, $0x3;
	[dreg:$0xa] =	wrdreg s23;
	s25 =	sadd.s32 s0, s22  }
0x13: {  	s17 =	simm.s32 $0x16400;
	s4 =	sadd.s32 s5, s22;
	[dreg:$0xb] =	wrdreg s25  }
0x14: {  	s3 =	sadd.s32 s6, s3;
	s6 =	sshrl.u32 s7, $0x3;
	[dreg:$0xc] =	wrdreg s4  }
0x15: {  	s24 =	sadd.s32 $0x280, s22;
	s21 =	sadd.s32 $0xE200, s3;
	[dreg:$0xf] =	wrdreg s6  }
0x16: {  	s22 =	simm.s32 $0x16800;
	s3 =	sadd.s32 $0x5E200, s3;
	[dreg:$0x8] =	wrdreg s21  }
0x17: {  	s23 =	simm.s32 $0x1A800;
	s0 =	sadd.s32 s0, s24;
	[dreg:$0x9] =	wrdreg s3  }
0x18: {  	s26 =	sadd.s32 s5, s24;
	s4 =	simm.s32 $0x15400;
	[dreg:$0xd] =	wrdreg s0  }
0x19: {  	s24 =	simm.s32 $0x1;
	s25 =	simm.s32 $0x2;
	[dreg:$0xe] =	wrdreg s26  }
0x1a: {  	s21 =	simm.s32 $0x80;
	s3 =	simm.s32 $0x0;
	s26 =	simm.s32 $0x16200  }
.LBB2_1:
0x1b: {  	[dreg:$0x10] =	wrdreg s3  }
0x1c: {  	s0 =	rddreg [dreg:$0x5]  }
0x1d: {  	[spmem:s6], [sflag:s9] =	dma.local [hbm:s0], $0x2800  }
0x1e: {  	_ =	swait.ge [sflag:s18], $0x2800  }
0x1f: {  	[sflag:s18] =	ssyncset.done $0x0  }
0x20: {  	[sflag:s18] =	ssyncadd.s32 $0xFFFFD800  }
0x21: {  	[bflag:$0x0] =	sbarrier.arrive $0xFFFF  }
0x22: {  	s10 =	simm.s32 $0x14000;
	s9 =	rddreg [dreg:$0xb]  }
0x23: {  	[tilespmem:s10], [sflag:$0x3] =	stream.linear.gather [hbm4b:s9+s31], $0x1400, $0x38;
	[tilespmem:$0x1E800] =	vst v63  }
0x24: {  	_ =	swait.ge [sflag:s18], $0x1400  }
0x25: {  	[sflag:s18] =	ssyncset.done $0x0  }
0x26: {  	s6 =	rddreg [dreg:$0xc];
	[sflag:s18] =	ssyncadd.s32 $0xFFFFEC00  }
0x27: {  	[tilespmem:s4], [sflag:$0x3] =	stream.linear.gather [hbm4b:s6+s31], $0x1400, $0x38;
	[tilespmem:$0x1E800] =	vst v63  }
0x28: {  	_ =	swait.ge [sflag:s18], $0x1400  }
0x29: {  	[sflag:s18] =	ssyncset.done $0x0  }
0x2a: {  	[sflag:s18] =	ssyncadd.s32 $0xFFFFEC00  }
0x2b: {  	[tilespmem:s22], [sflag:$0x1] =	stream.indirect.gather [hbm4b:s1+s21], $0x80, s10, s21, $0xb8;
	[tilespmem:$0x1E800] =	vst v63  }
0x2c: {  	s7 =	simm.s32 $0x14080  }
0x2d: {  	[tilespmem:s23], [sflag:$0x2] =	stream.indirect.gather [hbm4b:s1+s21], $0x80, s7, s21, $0xb8;
	[tilespmem:$0x1E800] =	vst v63  }
0x2e: {  	_ =	swait.ge [sflag:s24], $0x4000  }
0x2f: {  	[sflag:s24] =	ssyncset.done $0x0  }
0x30: {  	s8 =	simm.s32 $0x15400;
	[sflag:s24] =	ssyncadd.s32 $0xFFFFC000  }
0x31: {  	[spmem:s2] =	stream.indirect.scatter.add.f32 [tilespmem:s22], [sflag:$0x3], $0x80, s8, s21, $0xb8;
	[tilespmem:$0x1E800] =	vst v63  }
0x32: {  	_ =	swait.ge [sflag:s18], $0x4000  }
0x33: {  	[sflag:s18] =	ssyncset.done $0x0  }
0x34: {  	s9 =	simm.s32 $0x14100;
	[sflag:s18] =	ssyncadd.s32 $0xFFFFC000  }
0x35: {  	[tilespmem:s22], [sflag:$0x1] =	stream.indirect.gather [hbm4b:s1+s21], $0x80, s9, s21, $0xb8;
	[tilespmem:$0x1E800] =	vst v63  }
0x36: {  	_ =	swait.ge [sflag:s25], $0x4000  }
0x37: {  	[sflag:s25] =	ssyncset.done $0x0  }
0x38: {  	s10 =	simm.s32 $0x15480;
	[sflag:s25] =	ssyncadd.s32 $0xFFFFC000  }
0x39: {  	[spmem:s2] =	stream.indirect.scatter.add.f32 [tilespmem:s23], [sflag:$0x3], $0x80, s10, s21, $0xb8;
	[tilespmem:$0x1E800] =	vst v63  }
0x3a: {  	_ =	swait.ge [sflag:s18], $0x4000  }
0x3b: {  	s0 =	simm.s32 $0x800;
	s31 =	simm.s32 $0x100;
	[sflag:s18] =	ssyncset.done $0x0  }
.LBB2_2:
0x3c: {  	s3 =	sadd.s32 $0x14080, s31  }
0x3d: {  	[sflag:s18] =	ssyncadd.s32 $0xFFFFC000;
	s7 =	smov.u32 s0;
	s10 =	sadd.s32 $0x400, s0  }
0x3e: {  	[tilespmem:s23], [sflag:$0x2] =	stream.indirect.gather [hbm4b:s1+s21], $0x80, s3, s21, $0xb8;
	[tilespmem:$0x1E800] =	vst v63  }
0x3f: {  	p0 =	sne.s32 s0, $0x4800;
	_ =	swait.ge [sflag:s24], $0x4000  }
0x40: {  	[sflag:s24] =	ssyncset.done $0x0  }
0x41: {  	s0 =	sadd.s32 $0x15400, s31;
	[sflag:s24] =	ssyncadd.s32 $0xFFFFC000  }
0x42: {  	[spmem:s2] =	stream.indirect.scatter.add.f32 [tilespmem:s22], [sflag:$0x3], $0x80, s0, s21, $0xb8;
	[tilespmem:$0x1E800] =	vst v63  }
0x43: {  	_ =	swait.ge [sflag:s18], $0x4000  }
0x44: {  	[sflag:s18] =	ssyncset.done $0x0  }
0x45: {  	s0 =	sadd.s32 $0x14100, s31;
	[sflag:s18] =	ssyncadd.s32 $0xFFFFC000  }
0x46: {  	[tilespmem:s22], [sflag:$0x1] =	stream.indirect.gather [hbm4b:s1+s21], $0x80, s0, s21, $0xb8;
	[tilespmem:$0x1E800] =	vst v63  }
0x47: {  	_ =	swait.ge [sflag:s25], $0x4000  }
.Ltmp0:
0x48: {  	[sflag:s25] =	ssyncset.done $0x0;
	(pc) =	sbr.rel @p0 .LBB2_2-.Ltmp0, $4  }
0x49: {  	s0 =	sadd.s32 $0x15480, s31;
	[sflag:s25] =	ssyncadd.s32 $0xFFFFC000  }
0x4a: {  	[spmem:s2] =	stream.indirect.scatter.add.f32 [tilespmem:s23], [sflag:$0x3], $0x80, s0, s21, $0xb8;
	[tilespmem:$0x1E800] =	vst v63  }
0x4b: {  	_ =	swait.ge [sflag:s18], $0x4000  }
0x4c: {  	s31 =	sshra.s32 s7, $0x2;
	s0 =	smov.u32 s10;
	[sflag:s18] =	ssyncset.done $0x0  }
0x4d: {  	s0 =	sadd.s32 $0x14080, s31;
	[sflag:s18] =	ssyncadd.s32 $0xFFFFC000  }
0x4e: {  	[tilespmem:s23], [sflag:$0x2] =	stream.indirect.gather [hbm4b:s1+s21], $0x80, s0, s21, $0xb8;
	[tilespmem:$0x1E800] =	vst v63  }
0x4f: {  	_ =	swait.ge [sflag:s24], $0x4000  }
0x50: {  	[sflag:s24] =	ssyncset.done $0x0  }
0x51: {  	s8 =	smov.u32 s5;
	s5 =	sadd.s32 $0x15400, s31;
	[sflag:s24] =	ssyncadd.s32 $0xFFFFC000  }
0x52: {  	[spmem:s2] =	stream.indirect.scatter.add.f32 [tilespmem:s22], [sflag:$0x3], $0x80, s5, s21, $0xb8;
	[tilespmem:$0x1E800] =	vst v63  }
0x53: {  	_ =	swait.ge [sflag:s18], $0x4000  }
0x54: {  	[sflag:s18] =	ssyncset.done $0x0  }
0x55: {  	s6 =	sadd.s32 $0x14100, s31;
	[sflag:s18] =	ssyncadd.s32 $0xFFFFC000  }
0x56: {  	[tilespmem:s22], [sflag:$0x1] =	stream.indirect.gather [hbm4b:s1+s21], $0x80, s6, s21, $0xb8;
	[tilespmem:$0x1E800] =	vst v63  }
0x57: {  	_ =	swait.ge [sflag:s25], $0x4000  }
0x58: {  	[sflag:s25] =	ssyncset.done $0x0  }
0x59: {  	s7 =	sadd.s32 $0x15480, s31;
	[sflag:s25] =	ssyncadd.s32 $0xFFFFC000  }
0x5a: {  	[spmem:s2] =	stream.indirect.scatter.add.f32 [tilespmem:s23], [sflag:$0x3], $0x80, s7, s21, $0xb8;
	[tilespmem:$0x1E800] =	vst v63  }
0x5b: {  	_ =	swait.ge [sflag:s18], $0x4000  }
0x5c: {  	[sflag:s18] =	ssyncset.done $0x0  }
0x5d: {  	s9 =	simm.s32 $0x15380;
	[sflag:s18] =	ssyncadd.s32 $0xFFFFC000  }
0x5e: {  	[tilespmem:s23], [sflag:$0x2] =	stream.indirect.gather [hbm4b:s1+s21], $0x80, s9, s21, $0xb8;
	[tilespmem:$0x1E800] =	vst v63  }
0x5f: {  	_ =	swait.ge [sflag:s24], $0x4000  }
0x60: {  	[sflag:s24] =	ssyncset.done $0x0  }
0x61: {  	[sflag:s24] =	ssyncadd.s32 $0xFFFFC000  }
0x62: {  	[spmem:s2] =	stream.indirect.scatter.add.f32 [tilespmem:s22], [sflag:$0x3], $0x80, s11, s21, $0xb8;
	[tilespmem:$0x1E800] =	vst v63  }
0x63: {  	_ =	swait.ge [sflag:s18], $0x4000  }
0x64: {  	[sflag:s18] =	ssyncset.done $0x0  }
0x65: {  	[sflag:s18] =	ssyncadd.s32 $0xFFFFC000  }
0x66: {  	_ =	swait.ge [sflag:s25], $0x4000  }
0x67: {  	[sflag:s25] =	ssyncset.done $0x0  }
0x68: {  	[sflag:s25] =	ssyncadd.s32 $0xFFFFC000  }
0x69: {  	[spmem:s2] =	stream.indirect.scatter.add.f32 [tilespmem:s23], [sflag:$0x3], $0x80, s12, s21, $0xb8;
	[tilespmem:$0x1E800] =	vst v63  }
0x6a: {  	_ =	swait.ge [sflag:s18], $0x4000  }
0x6b: {  	s10 =	simm.s32 $0x0;
	[sflag:s18] =	ssyncset.done $0x0  }
0x6c: {  	s7 =	simm.s32 $0x14000;
	s3 =	rddreg [dreg:$0xd];
	[sflag:s18] =	ssyncadd.s32 $0xFFFFC000  }
0x6d: {  	[tilespmem:s7], [sflag:$0x3] =	stream.linear.gather [hbm4b:s3+s10], $0x1400, $0x38;
	[tilespmem:$0x1E800] =	vst v63  }
0x6e: {  	_ =	swait.ge [sflag:s18], $0x1400  }
0x6f: {  	[sflag:s18] =	ssyncset.done $0x0  }
0x70: {  	s5 =	rddreg [dreg:$0xe];
	[sflag:s18] =	ssyncadd.s32 $0xFFFFEC00  }
0x71: {  	[tilespmem:s4], [sflag:$0x3] =	stream.linear.gather [hbm4b:s5+s10], $0x1400, $0x38;
	[tilespmem:$0x1E800] =	vst v63  }
0x72: {  	_ =	swait.ge [sflag:s18], $0x1400  }
0x73: {  	[sflag:s18] =	ssyncset.done $0x0  }
0x74: {  	[sflag:s18] =	ssyncadd.s32 $0xFFFFEC00  }
0x75: {  	[tilespmem:s22], [sflag:$0x1] =	stream.indirect.gather [hbm4b:s1+s21], $0x80, s7, s21, $0xb8;
	[tilespmem:$0x1E800] =	vst v63  }
0x76: {  	s6 =	simm.s32 $0x14080  }
0x77: {  	[tilespmem:s23], [sflag:$0x2] =	stream.indirect.gather [hbm4b:s1+s21], $0x80, s6, s21, $0xb8;
	[tilespmem:$0x1E800] =	vst v63  }
0x78: {  	_ =	swait.ge [sflag:s24], $0x4000  }
0x79: {  	[sflag:s24] =	ssyncset.done $0x0  }
0x7a: {  	s7 =	simm.s32 $0x15400;
	[sflag:s24] =	ssyncadd.s32 $0xFFFFC000  }
0x7b: {  	[spmem:s2] =	stream.indirect.scatter.add.f32 [tilespmem:s22], [sflag:$0x3], $0x80, s7, s21, $0xb8;
	[tilespmem:$0x1E800] =	vst v63  }
0x7c: {  	_ =	swait.ge [sflag:s18], $0x4000  }
0x7d: {  	[sflag:s18] =	ssyncset.done $0x0  }
0x7e: {  	s9 =	simm.s32 $0x14100;
	[sflag:s18] =	ssyncadd.s32 $0xFFFFC000  }
0x7f: {  	[tilespmem:s22], [sflag:$0x1] =	stream.indirect.gather [hbm4b:s1+s21], $0x80, s9, s21, $0xb8;
	[tilespmem:$0x1E800] =	vst v63  }
0x80: {  	_ =	swait.ge [sflag:s25], $0x4000  }
0x81: {  	[sflag:s25] =	ssyncset.done $0x0  }
0x82: {  	s10 =	simm.s32 $0x15480;
	[sflag:s25] =	ssyncadd.s32 $0xFFFFC000  }
0x83: {  	[spmem:s2] =	stream.indirect.scatter.add.f32 [tilespmem:s23], [sflag:$0x3], $0x80, s10, s21, $0xb8;
	[tilespmem:$0x1E800] =	vst v63  }
0x84: {  	_ =	swait.ge [sflag:s18], $0x4000  }
0x85: {  	s31 =	simm.s32 $0x100;
	s0 =	simm.s32 $0x800;
	[sflag:s18] =	ssyncset.done $0x0  }
.LBB2_4:
0x86: {  	s3 =	sadd.s32 $0x14080, s31  }
0x87: {  	[sflag:s18] =	ssyncadd.s32 $0xFFFFC000;
	s7 =	smov.u32 s0;
	s10 =	sadd.s32 $0x400, s0  }
0x88: {  	[tilespmem:s23], [sflag:$0x2] =	stream.indirect.gather [hbm4b:s1+s21], $0x80, s3, s21, $0xb8;
	[tilespmem:$0x1E800] =	vst v63  }
0x89: {  	p0 =	sne.s32 s0, $0x4800;
	_ =	swait.ge [sflag:s24], $0x4000  }
0x8a: {  	[sflag:s24] =	ssyncset.done $0x0  }
0x8b: {  	s0 =	sadd.s32 $0x15400, s31;
	[sflag:s24] =	ssyncadd.s32 $0xFFFFC000  }
0x8c: {  	[spmem:s2] =	stream.indirect.scatter.add.f32 [tilespmem:s22], [sflag:$0x3], $0x80, s0, s21, $0xb8;
	[tilespmem:$0x1E800] =	vst v63  }
0x8d: {  	_ =	swait.ge [sflag:s18], $0x4000  }
0x8e: {  	[sflag:s18] =	ssyncset.done $0x0  }
0x8f: {  	s0 =	sadd.s32 $0x14100, s31;
	[sflag:s18] =	ssyncadd.s32 $0xFFFFC000  }
0x90: {  	[tilespmem:s22], [sflag:$0x1] =	stream.indirect.gather [hbm4b:s1+s21], $0x80, s0, s21, $0xb8;
	[tilespmem:$0x1E800] =	vst v63  }
0x91: {  	_ =	swait.ge [sflag:s25], $0x4000  }
.Ltmp1:
0x92: {  	[sflag:s25] =	ssyncset.done $0x0;
	(pc) =	sbr.rel @p0 .LBB2_4-.Ltmp1, $4  }
0x93: {  	s0 =	sadd.s32 $0x15480, s31;
	[sflag:s25] =	ssyncadd.s32 $0xFFFFC000  }
0x94: {  	[spmem:s2] =	stream.indirect.scatter.add.f32 [tilespmem:s23], [sflag:$0x3], $0x80, s0, s21, $0xb8;
	[tilespmem:$0x1E800] =	vst v63  }
0x95: {  	_ =	swait.ge [sflag:s18], $0x4000  }
0x96: {  	s31 =	sshra.s32 s7, $0x2;
	s0 =	smov.u32 s10;
	[sflag:s18] =	ssyncset.done $0x0  }
0x97: {  	s0 =	sadd.s32 $0x14080, s31;
	[sflag:s18] =	ssyncadd.s32 $0xFFFFC000  }
0x98: {  	[tilespmem:s23], [sflag:$0x2] =	stream.indirect.gather [hbm4b:s1+s21], $0x80, s0, s21, $0xb8;
	[tilespmem:$0x1E800] =	vst v63  }
0x99: {  	_ =	swait.ge [sflag:s24], $0x4000  }
0x9a: {  	[sflag:s24] =	ssyncset.done $0x0  }
0x9b: {  	s5 =	sadd.s32 $0x15400, s31;
	[sflag:s24] =	ssyncadd.s32 $0xFFFFC000  }
0x9c: {  	[spmem:s2] =	stream.indirect.scatter.add.f32 [tilespmem:s22], [sflag:$0x3], $0x80, s5, s21, $0xb8;
	[tilespmem:$0x1E800] =	vst v63  }
0x9d: {  	_ =	swait.ge [sflag:s18], $0x4000  }
0x9e: {  	[sflag:s18] =	ssyncset.done $0x0  }
0x9f: {  	s6 =	sadd.s32 $0x14100, s31;
	[sflag:s18] =	ssyncadd.s32 $0xFFFFC000  }
0xa0: {  	[tilespmem:s22], [sflag:$0x1] =	stream.indirect.gather [hbm4b:s1+s21], $0x80, s6, s21, $0xb8;
	[tilespmem:$0x1E800] =	vst v63  }
0xa1: {  	_ =	swait.ge [sflag:s25], $0x4000  }
0xa2: {  	[sflag:s25] =	ssyncset.done $0x0  }
0xa3: {  	s7 =	sadd.s32 $0x15480, s31;
	[sflag:s25] =	ssyncadd.s32 $0xFFFFC000  }
0xa4: {  	[spmem:s2] =	stream.indirect.scatter.add.f32 [tilespmem:s23], [sflag:$0x3], $0x80, s7, s21, $0xb8;
	[tilespmem:$0x1E800] =	vst v63  }
0xa5: {  	_ =	swait.ge [sflag:s18], $0x4000  }
0xa6: {  	[sflag:s18] =	ssyncset.done $0x0  }
0xa7: {  	s9 =	simm.s32 $0x15380;
	[sflag:s18] =	ssyncadd.s32 $0xFFFFC000  }
0xa8: {  	[tilespmem:s23], [sflag:$0x2] =	stream.indirect.gather [hbm4b:s1+s21], $0x80, s9, s21, $0xb8;
	[tilespmem:$0x1E800] =	vst v63  }
0xa9: {  	_ =	swait.ge [sflag:s24], $0x4000  }
0xaa: {  	[sflag:s24] =	ssyncset.done $0x0  }
0xab: {  	[sflag:s24] =	ssyncadd.s32 $0xFFFFC000  }
0xac: {  	[spmem:s2] =	stream.indirect.scatter.add.f32 [tilespmem:s22], [sflag:$0x3], $0x80, s11, s21, $0xb8;
	[tilespmem:$0x1E800] =	vst v63  }
0xad: {  	_ =	swait.ge [sflag:s18], $0x4000  }
0xae: {  	[sflag:s18] =	ssyncset.done $0x0  }
0xaf: {  	[sflag:s18] =	ssyncadd.s32 $0xFFFFC000  }
0xb0: {  	_ =	swait.ge [sflag:s25], $0x4000  }
0xb1: {  	[sflag:s25] =	ssyncset.done $0x0  }
0xb2: {  	[sflag:s25] =	ssyncadd.s32 $0xFFFFC000  }
0xb3: {  	[spmem:s2] =	stream.indirect.scatter.add.f32 [tilespmem:s23], [sflag:$0x3], $0x80, s12, s21, $0xb8;
	[tilespmem:$0x1E800] =	vst v63  }
0xb4: {  	_ =	swait.ge [sflag:s18], $0x4000  }
0xb5: {  	[sflag:s18] =	ssyncset.done $0x0  }
0xb6: {  	[sflag:s18] =	ssyncadd.s32 $0xFFFFC000  }
0xb7: {  	[bflag:$0x0] =	sbarrier.arrive $0xFFFF  }
0xb8: {  	s3 =	rddreg [dreg:$0x7]  }
0xb9: {  	s10 =	rddreg [dreg:$0x8]  }
0xba: {  	s4 =	rddreg [dreg:$0xf]  }
0xbb: {  	[hbm:s10], [sflag:s3] =	dma.local [spmem:s4], $0x2800  }
0xbc: {  	_ =	swait.ge [sflag:s18], $0x2800  }
0xbd: {  	[sflag:s18] =	ssyncset.done $0x0  }
0xbe: {  	s11 =	rddreg [dreg:$0x5];
	[sflag:s18] =	ssyncadd.s32 $0xFFFFD800  }
0xbf: {  	[spmem:s4], [sflag:s3] =	dma.local [hbm:s11], $0x2800  }
0xc0: {  	_ =	swait.ge [sflag:s18], $0x2800  }
0xc1: {  	[sflag:s18] =	ssyncset.done $0x0  }
0xc2: {  	p0 =	por $0x1, $0x1;
	s31 =	simm.s32 $0x0;
	[sflag:s18] =	ssyncadd.s32 $0xFFFFD800  }
0xc3: {  	s0 =	simm.s32 $0x0;
	s5 =	simm.s32 $0x16580;
	[bflag:$0x0] =	sbarrier.arrive $0xFFFF  }
0xc4: {  	s6 =	simm.s32 $0x16280;
	s7 =	simm.s32 $0x16680;
	s12 =	rddreg [dreg:$0x6]  }
0xc5: {  	[tilespmem:s22], [sflag:$0x3] =	stream.linear.gather [hbm4b:s12+s0], $0x4000, $0x38;
	[tilespmem:$0x1E800] =	vst v63  }
0xc6: {  	s9 =	simm.s32 $0x16380;
	s10 =	simm.s32 $0x16600;
	_ =	swait.ge [sflag:s18], $0x4000  }
0xc7: {  	s3 =	simm.s32 $0x15400;
	s11 =	simm.s32 $0x15E80;
	[sflag:s18] =	ssyncset.done $0x0  }
0xc8: {  	s4 =	simm.s32 $0x16480;
	s12 =	simm.s32 $0x15F00;
	[sflag:s18] =	ssyncadd.s32 $0xFFFFC000  }
.LBB2_6:
0xc9: {  	s0 =	sadd.s32 s0, s20  }
0xca: {  	s0 =	sshrl.u32 s0, $0x3  }
0xcb: {  	s0 =	sadd.s32 s8, s0  }
0xcc: {  	[tilespmem:s3], [sflag:$0x3] =	stream.linear.gather [hbm4b:s0+s31], $0x1400, $0x38;
	[tilespmem:$0x1E800] =	vst v63  }
0xcd: {  	_ =	swait.ge [sflag:s18], $0x1400  }
0xce: {  	[sflag:s18] =	ssyncset.done $0x0  }
0xcf: {  	[sflag:s18] =	ssyncadd.s32 $0xFFFFEC00  }
0xd0: {  	[spmem:s2] =	stream.indirect.scatter.add.f32 [tilespmem:s22], [sflag:$0x1], $0x80, s3, s21, $0xb8;
	[tilespmem:$0x1E800] =	vst v63  }
0xd1: {  	s0 =	simm.s32 $0x15480  }
0xd2: {  	[spmem:s2] =	stream.indirect.scatter.add.f32 [tilespmem:s22], [sflag:$0x1], $0x80, s0, s21, $0xb8;
	[tilespmem:$0x1E800] =	vst v63  }
0xd3: {  	s0 =	simm.s32 $0x15500  }
0xd4: {  	[spmem:s2] =	stream.indirect.scatter.add.f32 [tilespmem:s22], [sflag:$0x1], $0x80, s0, s21, $0xb8;
	[tilespmem:$0x1E800] =	vst v63  }
0xd5: {  	s0 =	simm.s32 $0x15580  }
0xd6: {  	[spmem:s2] =	stream.indirect.scatter.add.f32 [tilespmem:s22], [sflag:$0x1], $0x80, s0, s21, $0xb8;
	[tilespmem:$0x1E800] =	vst v63  }
0xd7: {  	s0 =	simm.s32 $0x15600  }
0xd8: {  	[spmem:s2] =	stream.indirect.scatter.add.f32 [tilespmem:s22], [sflag:$0x1], $0x80, s0, s21, $0xb8;
	[tilespmem:$0x1E800] =	vst v63  }
0xd9: {  	s0 =	simm.s32 $0x15680  }
0xda: {  	[spmem:s2] =	stream.indirect.scatter.add.f32 [tilespmem:s22], [sflag:$0x1], $0x80, s0, s21, $0xb8;
	[tilespmem:$0x1E800] =	vst v63  }
0xdb: {  	s0 =	simm.s32 $0x15700  }
0xdc: {  	[spmem:s2] =	stream.indirect.scatter.add.f32 [tilespmem:s22], [sflag:$0x1], $0x80, s0, s21, $0xb8;
	[tilespmem:$0x1E800] =	vst v63  }
0xdd: {  	s0 =	simm.s32 $0x15780  }
0xde: {  	[spmem:s2] =	stream.indirect.scatter.add.f32 [tilespmem:s22], [sflag:$0x1], $0x80, s0, s21, $0xb8;
	[tilespmem:$0x1E800] =	vst v63  }
0xdf: {  	_ =	swait.ge [sflag:s24], $0x4000  }
0xe0: {  	[sflag:s24] =	ssyncset.done $0x0  }
0xe1: {  	[sflag:s24] =	ssyncadd.s32 $0xFFFFC000  }
0xe2: {  	_ =	swait.ge [sflag:s24], $0x4000  }
0xe3: {  	[sflag:s24] =	ssyncset.done $0x0  }
0xe4: {  	[sflag:s24] =	ssyncadd.s32 $0xFFFFC000  }
0xe5: {  	_ =	swait.ge [sflag:s24], $0x4000  }
0xe6: {  	[sflag:s24] =	ssyncset.done $0x0  }
0xe7: {  	[sflag:s24] =	ssyncadd.s32 $0xFFFFC000  }
0xe8: {  	_ =	swait.ge [sflag:s24], $0x4000  }
0xe9: {  	[sflag:s24] =	ssyncset.done $0x0  }
0xea: {  	[sflag:s24] =	ssyncadd.s32 $0xFFFFC000  }
0xeb: {  	_ =	swait.ge [sflag:s24], $0x4000  }
0xec: {  	[sflag:s24] =	ssyncset.done $0x0  }
0xed: {  	[sflag:s24] =	ssyncadd.s32 $0xFFFFC000  }
0xee: {  	_ =	swait.ge [sflag:s24], $0x4000  }
0xef: {  	[sflag:s24] =	ssyncset.done $0x0  }
0xf0: {  	[sflag:s24] =	ssyncadd.s32 $0xFFFFC000  }
0xf1: {  	_ =	swait.ge [sflag:s24], $0x4000  }
0xf2: {  	[sflag:s24] =	ssyncset.done $0x0  }
0xf3: {  	[sflag:s24] =	ssyncadd.s32 $0xFFFFC000  }
0xf4: {  	_ =	swait.ge [sflag:s24], $0x4000  }
0xf5: {  	[sflag:s24] =	ssyncset.done $0x0  }
0xf6: {  	s0 =	simm.s32 $0x15800;
	[sflag:s24] =	ssyncadd.s32 $0xFFFFC000  }
0xf7: {  	[spmem:s2] =	stream.indirect.scatter.add.f32 [tilespmem:s22], [sflag:$0x1], $0x80, s0, s21, $0xb8;
	[tilespmem:$0x1E800] =	vst v63  }
0xf8: {  	s0 =	simm.s32 $0x15880  }
0xf9: {  	[spmem:s2] =	stream.indirect.scatter.add.f32 [tilespmem:s22], [sflag:$0x1], $0x80, s0, s21, $0xb8;
	[tilespmem:$0x1E800] =	vst v63  }
0xfa: {  	s0 =	simm.s32 $0x15900  }
0xfb: {  	[spmem:s2] =	stream.indirect.scatter.add.f32 [tilespmem:s22], [sflag:$0x1], $0x80, s0, s21, $0xb8;
	[tilespmem:$0x1E800] =	vst v63  }
0xfc: {  	s0 =	simm.s32 $0x15980  }
0xfd: {  	[spmem:s2] =	stream.indirect.scatter.add.f32 [tilespmem:s22], [sflag:$0x1], $0x80, s0, s21, $0xb8;
	[tilespmem:$0x1E800] =	vst v63  }
0xfe: {  	s0 =	simm.s32 $0x15A00  }
0xff: {  	[spmem:s2] =	stream.indirect.scatter.add.f32 [tilespmem:s22], [sflag:$0x1], $0x80, s0, s21, $0xb8;
	[tilespmem:$0x1E800] =	vst v63  }
0x100: {  	s0 =	simm.s32 $0x15A80  }
0x101: {  	[spmem:s2] =	stream.indirect.scatter.add.f32 [tilespmem:s22], [sflag:$0x1], $0x80, s0, s21, $0xb8;
	[tilespmem:$0x1E800] =	vst v63  }
0x102: {  	s0 =	simm.s32 $0x15B00  }
0x103: {  	[spmem:s2] =	stream.indirect.scatter.add.f32 [tilespmem:s22], [sflag:$0x1], $0x80, s0, s21, $0xb8;
	[tilespmem:$0x1E800] =	vst v63  }
0x104: {  	s0 =	simm.s32 $0x15B80  }
0x105: {  	[spmem:s2] =	stream.indirect.scatter.add.f32 [tilespmem:s22], [sflag:$0x1], $0x80, s0, s21, $0xb8;
	[tilespmem:$0x1E800] =	vst v63  }
0x106: {  	_ =	swait.ge [sflag:s24], $0x4000  }
0x107: {  	[sflag:s24] =	ssyncset.done $0x0  }
0x108: {  	[sflag:s24] =	ssyncadd.s32 $0xFFFFC000  }
0x109: {  	_ =	swait.ge [sflag:s24], $0x4000  }
0x10a: {  	[sflag:s24] =	ssyncset.done $0x0  }
0x10b: {  	[sflag:s24] =	ssyncadd.s32 $0xFFFFC000  }
0x10c: {  	_ =	swait.ge [sflag:s24], $0x4000  }
0x10d: {  	[sflag:s24] =	ssyncset.done $0x0  }
0x10e: {  	[sflag:s24] =	ssyncadd.s32 $0xFFFFC000  }
0x10f: {  	_ =	swait.ge [sflag:s24], $0x4000  }
0x110: {  	[sflag:s24] =	ssyncset.done $0x0  }
0x111: {  	[sflag:s24] =	ssyncadd.s32 $0xFFFFC000  }
0x112: {  	_ =	swait.ge [sflag:s24], $0x4000  }
0x113: {  	[sflag:s24] =	ssyncset.done $0x0  }
0x114: {  	[sflag:s24] =	ssyncadd.s32 $0xFFFFC000  }
0x115: {  	_ =	swait.ge [sflag:s24], $0x4000  }
0x116: {  	[sflag:s24] =	ssyncset.done $0x0  }
0x117: {  	[sflag:s24] =	ssyncadd.s32 $0xFFFFC000  }
0x118: {  	_ =	swait.ge [sflag:s24], $0x4000  }
0x119: {  	[sflag:s24] =	ssyncset.done $0x0  }
0x11a: {  	[sflag:s24] =	ssyncadd.s32 $0xFFFFC000  }
0x11b: {  	_ =	swait.ge [sflag:s24], $0x4000  }
0x11c: {  	[sflag:s24] =	ssyncset.done $0x0  }
0x11d: {  	s0 =	simm.s32 $0x15C00;
	[sflag:s24] =	ssyncadd.s32 $0xFFFFC000  }
0x11e: {  	[spmem:s2] =	stream.indirect.scatter.add.f32 [tilespmem:s22], [sflag:$0x1], $0x80, s0, s21, $0xb8;
	[tilespmem:$0x1E800] =	vst v63  }
0x11f: {  	s0 =	simm.s32 $0x15C80  }
0x120: {  	[spmem:s2] =	stream.indirect.scatter.add.f32 [tilespmem:s22], [sflag:$0x1], $0x80, s0, s21, $0xb8;
	[tilespmem:$0x1E800] =	vst v63  }
0x121: {  	s0 =	simm.s32 $0x15D00  }
0x122: {  	[spmem:s2] =	stream.indirect.scatter.add.f32 [tilespmem:s22], [sflag:$0x1], $0x80, s0, s21, $0xb8;
	[tilespmem:$0x1E800] =	vst v63  }
0x123: {  	s0 =	simm.s32 $0x15D80  }
0x124: {  	[spmem:s2] =	stream.indirect.scatter.add.f32 [tilespmem:s22], [sflag:$0x1], $0x80, s0, s21, $0xb8;
	[tilespmem:$0x1E800] =	vst v63  }
0x125: {  	_ = 	snop  }
0x126: {  	[spmem:s2] =	stream.indirect.scatter.add.f32 [tilespmem:s22], [sflag:$0x1], $0x80, s14, s21, $0xb8;
	[tilespmem:$0x1E800] =	vst v63  }
0x127: {  	_ = 	snop  }
0x128: {  	[spmem:s2] =	stream.indirect.scatter.add.f32 [tilespmem:s22], [sflag:$0x1], $0x80, s11, s21, $0xb8;
	[tilespmem:$0x1E800] =	vst v63  }
0x129: {  	_ = 	snop  }
0x12a: {  	[spmem:s2] =	stream.indirect.scatter.add.f32 [tilespmem:s22], [sflag:$0x1], $0x80, s12, s21, $0xb8;
	[tilespmem:$0x1E800] =	vst v63  }
0x12b: {  	_ = 	snop  }
0x12c: {  	[spmem:s2] =	stream.indirect.scatter.add.f32 [tilespmem:s22], [sflag:$0x1], $0x80, s15, s21, $0xb8;
	[tilespmem:$0x1E800] =	vst v63  }
0x12d: {  	_ =	swait.ge [sflag:s24], $0x4000  }
0x12e: {  	[sflag:s24] =	ssyncset.done $0x0  }
0x12f: {  	[sflag:s24] =	ssyncadd.s32 $0xFFFFC000  }
0x130: {  	_ =	swait.ge [sflag:s24], $0x4000  }
0x131: {  	[sflag:s24] =	ssyncset.done $0x0  }
0x132: {  	[sflag:s24] =	ssyncadd.s32 $0xFFFFC000  }
0x133: {  	_ =	swait.ge [sflag:s24], $0x4000  }
0x134: {  	[sflag:s24] =	ssyncset.done $0x0  }
0x135: {  	[sflag:s24] =	ssyncadd.s32 $0xFFFFC000  }
0x136: {  	_ =	swait.ge [sflag:s24], $0x4000  }
0x137: {  	[sflag:s24] =	ssyncset.done $0x0  }
0x138: {  	[sflag:s24] =	ssyncadd.s32 $0xFFFFC000  }
0x139: {  	_ =	swait.ge [sflag:s24], $0x4000  }
0x13a: {  	[sflag:s24] =	ssyncset.done $0x0  }
0x13b: {  	[sflag:s24] =	ssyncadd.s32 $0xFFFFC000  }
0x13c: {  	_ =	swait.ge [sflag:s24], $0x4000  }
0x13d: {  	[sflag:s24] =	ssyncset.done $0x0  }
0x13e: {  	[sflag:s24] =	ssyncadd.s32 $0xFFFFC000  }
0x13f: {  	_ =	swait.ge [sflag:s24], $0x4000  }
0x140: {  	[sflag:s24] =	ssyncset.done $0x0  }
0x141: {  	[sflag:s24] =	ssyncadd.s32 $0xFFFFC000  }
0x142: {  	_ =	swait.ge [sflag:s24], $0x4000  }
0x143: {  	[sflag:s24] =	ssyncset.done $0x0  }
0x144: {  	[sflag:s24] =	ssyncadd.s32 $0xFFFFC000  }
0x145: {  	[spmem:s2] =	stream.indirect.scatter.add.f32 [tilespmem:s22], [sflag:$0x1], $0x80, s13, s21, $0xb8;
	[tilespmem:$0x1E800] =	vst v63  }
0x146: {  	_ = 	snop  }
0x147: {  	[spmem:s2] =	stream.indirect.scatter.add.f32 [tilespmem:s22], [sflag:$0x1], $0x80, s28, s21, $0xb8;
	[tilespmem:$0x1E800] =	vst v63  }
0x148: {  	_ = 	snop  }
0x149: {  	[spmem:s2] =	stream.indirect.scatter.add.f32 [tilespmem:s22], [sflag:$0x1], $0x80, s29, s21, $0xb8;
	[tilespmem:$0x1E800] =	vst v63  }
0x14a: {  	_ = 	snop  }
0x14b: {  	[spmem:s2] =	stream.indirect.scatter.add.f32 [tilespmem:s22], [sflag:$0x1], $0x80, s16, s21, $0xb8;
	[tilespmem:$0x1E800] =	vst v63  }
0x14c: {  	_ = 	snop  }
0x14d: {  	[spmem:s2] =	stream.indirect.scatter.add.f32 [tilespmem:s22], [sflag:$0x1], $0x80, s26, s21, $0xb8;
	[tilespmem:$0x1E800] =	vst v63  }
0x14e: {  	_ = 	snop  }
0x14f: {  	[spmem:s2] =	stream.indirect.scatter.add.f32 [tilespmem:s22], [sflag:$0x1], $0x80, s6, s21, $0xb8;
	[tilespmem:$0x1E800] =	vst v63  }
0x150: {  	_ = 	snop  }
0x151: {  	[spmem:s2] =	stream.indirect.scatter.add.f32 [tilespmem:s22], [sflag:$0x1], $0x80, s19, s21, $0xb8;
	[tilespmem:$0x1E800] =	vst v63  }
0x152: {  	_ = 	snop  }
0x153: {  	[spmem:s2] =	stream.indirect.scatter.add.f32 [tilespmem:s22], [sflag:$0x1], $0x80, s9, s21, $0xb8;
	[tilespmem:$0x1E800] =	vst v63  }
0x154: {  	_ =	swait.ge [sflag:s24], $0x4000  }
0x155: {  	[sflag:s24] =	ssyncset.done $0x0  }
0x156: {  	[sflag:s24] =	ssyncadd.s32 $0xFFFFC000  }
0x157: {  	_ =	swait.ge [sflag:s24], $0x4000  }
0x158: {  	[sflag:s24] =	ssyncset.done $0x0  }
0x159: {  	[sflag:s24] =	ssyncadd.s32 $0xFFFFC000  }
0x15a: {  	_ =	swait.ge [sflag:s24], $0x4000  }
0x15b: {  	[sflag:s24] =	ssyncset.done $0x0  }
0x15c: {  	[sflag:s24] =	ssyncadd.s32 $0xFFFFC000  }
0x15d: {  	_ =	swait.ge [sflag:s24], $0x4000  }
0x15e: {  	[sflag:s24] =	ssyncset.done $0x0  }
0x15f: {  	[sflag:s24] =	ssyncadd.s32 $0xFFFFC000  }
0x160: {  	_ =	swait.ge [sflag:s24], $0x4000  }
0x161: {  	[sflag:s24] =	ssyncset.done $0x0  }
0x162: {  	[sflag:s24] =	ssyncadd.s32 $0xFFFFC000  }
0x163: {  	_ =	swait.ge [sflag:s24], $0x4000  }
0x164: {  	[sflag:s24] =	ssyncset.done $0x0  }
0x165: {  	[sflag:s24] =	ssyncadd.s32 $0xFFFFC000  }
0x166: {  	_ =	swait.ge [sflag:s24], $0x4000  }
0x167: {  	[sflag:s24] =	ssyncset.done $0x0  }
0x168: {  	[sflag:s24] =	ssyncadd.s32 $0xFFFFC000  }
0x169: {  	_ =	swait.ge [sflag:s24], $0x4000  }
0x16a: {  	[sflag:s24] =	ssyncset.done $0x0  }
0x16b: {  	[sflag:s24] =	ssyncadd.s32 $0xFFFFC000  }
0x16c: {  	[spmem:s2] =	stream.indirect.scatter.add.f32 [tilespmem:s22], [sflag:$0x1], $0x80, s17, s21, $0xb8;
	[tilespmem:$0x1E800] =	vst v63  }
0x16d: {  	_ = 	snop  }
0x16e: {  	[spmem:s2] =	stream.indirect.scatter.add.f32 [tilespmem:s22], [sflag:$0x1], $0x80, s4, s21, $0xb8;
	[tilespmem:$0x1E800] =	vst v63  }
0x16f: {  	_ = 	snop  }
0x170: {  	[spmem:s2] =	stream.indirect.scatter.add.f32 [tilespmem:s22], [sflag:$0x1], $0x80, s30, s21, $0xb8;
	[tilespmem:$0x1E800] =	vst v63  }
0x171: {  	_ = 	snop  }
0x172: {  	[spmem:s2] =	stream.indirect.scatter.add.f32 [tilespmem:s22], [sflag:$0x1], $0x80, s5, s21, $0xb8;
	[tilespmem:$0x1E800] =	vst v63  }
0x173: {  	_ = 	snop  }
0x174: {  	[spmem:s2] =	stream.indirect.scatter.add.f32 [tilespmem:s22], [sflag:$0x1], $0x80, s10, s21, $0xb8;
	[tilespmem:$0x1E800] =	vst v63  }
0x175: {  	_ = 	snop  }
0x176: {  	[spmem:s2] =	stream.indirect.scatter.add.f32 [tilespmem:s22], [sflag:$0x1], $0x80, s7, s21, $0xb8;
	[tilespmem:$0x1E800] =	vst v63  }
0x177: {  	s0 =	simm.s32 $0x16700  }
0x178: {  	[spmem:s2] =	stream.indirect.scatter.add.f32 [tilespmem:s22], [sflag:$0x1], $0x80, s0, s21, $0xb8;
	[tilespmem:$0x1E800] =	vst v63  }
0x179: {  	s0 =	simm.s32 $0x16780  }
0x17a: {  	[spmem:s2] =	stream.indirect.scatter.add.f32 [tilespmem:s22], [sflag:$0x1], $0x80, s0, s21, $0xb8;
	[tilespmem:$0x1E800] =	vst v63  }
0x17b: {  	_ =	swait.ge [sflag:s24], $0x4000  }
0x17c: {  	[sflag:s24] =	ssyncset.done $0x0  }
0x17d: {  	[sflag:s24] =	ssyncadd.s32 $0xFFFFC000  }
0x17e: {  	_ =	swait.ge [sflag:s24], $0x4000  }
0x17f: {  	[sflag:s24] =	ssyncset.done $0x0  }
0x180: {  	[sflag:s24] =	ssyncadd.s32 $0xFFFFC000  }
0x181: {  	_ =	swait.ge [sflag:s24], $0x4000  }
0x182: {  	[sflag:s24] =	ssyncset.done $0x0  }
0x183: {  	[sflag:s24] =	ssyncadd.s32 $0xFFFFC000  }
0x184: {  	_ =	swait.ge [sflag:s24], $0x4000  }
0x185: {  	[sflag:s24] =	ssyncset.done $0x0  }
0x186: {  	[sflag:s24] =	ssyncadd.s32 $0xFFFFC000  }
0x187: {  	_ =	swait.ge [sflag:s24], $0x4000  }
0x188: {  	[sflag:s24] =	ssyncset.done $0x0  }
0x189: {  	[sflag:s24] =	ssyncadd.s32 $0xFFFFC000  }
0x18a: {  	_ =	swait.ge [sflag:s24], $0x4000  }
0x18b: {  	[sflag:s24] =	ssyncset.done $0x0  }
0x18c: {  	[sflag:s24] =	ssyncadd.s32 $0xFFFFC000  }
0x18d: {  	p1 =	por p0, p0;
	_ =	swait.ge [sflag:s24], $0x4000  }
.Ltmp2:
0x18e: {  	[sflag:s24] =	ssyncset.done $0x0;
	(pc) =	sbr.rel @p1 .LBB2_6-.Ltmp2, $4  }
0x18f: {  	[sflag:s24] =	ssyncadd.s32 $0xFFFFC000  }
0x190: {  	_ =	swait.ge [sflag:s24], $0x4000  }
0x191: {  	[sflag:s24] =	ssyncset.done $0x0  }
0x192: {  	p0 =	por $0x0, $0x0;
	s0 =	simm.s32 $0x1400;
	[sflag:s24] =	ssyncadd.s32 $0xFFFFC000  }
0x193: {  	[bflag:$0x0] =	sbarrier.arrive $0xFFFF  }
0x194: {  	s0 =	rddreg [dreg:$0x9]  }
0x195: {  	s9 =	rddreg [dreg:$0x7]  }
0x196: {  	s6 =	rddreg [dreg:$0xf]  }
0x197: {  	[hbm:s0], [sflag:s9] =	dma.local [spmem:s6], $0x2800  }
0x198: {  	_ =	swait.ge [sflag:s18], $0x2800  }
0x199: {  	s3 =	rddreg [dreg:$0x10]  }
0x19a: {  	s12 =	rddreg [dreg:$0xa];
	s3 =	sadd.s32 $0x1, s3  }
0x19b: {  	p0 =	sne.s32 s3, s12  }
.Ltmp3:
0x19c: {  	_ = 	snop;
	(pc) =	sbr.rel @p0 .LBB2_1-.Ltmp3, $3  }
0x19d: {  	_ =	sdelay $0x1  }
0x19e: {  	s11 =	simm.s32 $0x16700;
	s5 =	smov.u32 s8;
	[sflag:s18] =	ssyncset.done $0x0  }
0x19f: {  	s4 =	simm.s32 $0x15400;
	[sflag:s18] =	ssyncadd.s32 $0xFFFFD800;
	s12 =	simm.s32 $0x16780  }
0x1a0: {  	_ =	sfence.sel $0x180000  }
0x1a1: {  	[bflag:$0x0] =	sbarrier.arrive $0xFFFF  }
0x1a2: {  	_ =	strace $0x90000047  }
0x1a3: {  	s0 =	stileid.u32;
	[bflag:$0x2] =	sbarrier.arrive $0xFFFF  }
0x1a4: {  	p0 =	sne.s32 s0, $0x0;
	s0 =	rddreg [dreg:$0x4]  }
0x1a5: {  	s0 =	sadd.s32 @!p0 $0x100000, s0  }
0x1a6: {  	[sflag:s0] =	ssyncadd.tile.s32 @!p0 $0x1;
	_ =	shalt  }
.Lfunc_end2:
_tile_overlayer_lowered:
.L_overlay_start_2:
0x1a7: {  	(tag) =	ssettag $0x2  }
0x1a8: {  	s0 =	rddreg [dreg:$0x0];
	s2 =	stileid.u32  }
0x1a9: {  	s1 =	rddreg [dreg:$0x1];
	p0 =	sne.s32 s2, $0x0  }
0x1aa: {  	s3 =	rddreg [dreg:$0x2];
	[bflag:$0x3] =	sbarrier.arrive $0xFFFF;
	s2 =	simm.s32 @!p0 $0x1C03  }
0x1ab: {  	[timem:s3], [sflag:s2] =	dma.local @!p0 [hbm:s0], s1  }
0x1ac: {  	s0 =	simm.s32 @!p0 $0x3  }
0x1ad: {  	_ =	swait.ge @!p0 [sflag:s0], s1  }
0x1ae: {  	s1 =	ssub.s32 @!p0 $0x0, s1;
	[sflag:s0] =	ssyncset.done @!p0 $0x0  }
0x1af: {  	[sflag:s0] =	ssyncadd.s32 @!p0 s1  }
0x1b0: {  	[bflag:$0x3] =	sbarrier.arrive $0xFFFF  }
0x1b1: {  	_ =	shalt  }

</sc_bundles>
